<compile_context>
chip_gen: v7x
topology: tpu7x:2x2x1
jax: 0.10.2.dev20260603
libtpu: 0.0.44.dev20260713+nightly
codegen_flags: <defaults>
</compile_context>

<pallas_src>
import functools

import jax
import jax.numpy as jnp
from jax import lax
from jax.experimental import pallas as pl
from jax.experimental.pallas import tpu as pltpu
from jax.experimental.pallas import tpu_sc as plsc

N_NODES = 10000
N_EDGES = 320000
D = 128

NC = 2
NS = 16
NW = NC * NS
K = 128

CH = 80
PW = CH * K
EPAD = PW * NW
CH0 = 152
CH1 = 2 * CH - CH0
NPAD = 10240
RPS = NPAD // NS

_mesh = plsc.VectorSubcoreMesh(core_axis_name="c", subcore_axis_name="s")


@functools.partial(
    pl.kernel,
    out_type=jax.ShapeDtypeStruct((NC, 2, NPAD), jnp.float32),
    mesh=_mesh,
    scratch_types=[
        pltpu.VMEM((CH, 1, K), jnp.int32),
        pltpu.VMEM((CH, 1, K), jnp.int32),
        pltpu.VMEM((K,), jnp.float32),
        pltpu.VMEM_SHARED((NPAD,), jnp.float32),
        pltpu.VMEM_SHARED((NPAD,), jnp.float32),
        pltpu.SemaphoreType.DMA,
        pltpu.SemaphoreType.DMA,
    ],
)
def _hist(src3d_hbm, dst3d_hbm, zrow_hbm, out_hbm, sbuf, dbuf, ones_v,
          dego_sh, degi_sh, osem, isem):
    cid = lax.axis_index("c")
    sid = lax.axis_index("s")
    wid = sid * NC + cid
    pltpu.sync_copy(zrow_hbm, dego_sh.at[pl.ds(sid * RPS, RPS)])
    pltpu.sync_copy(zrow_hbm, degi_sh.at[pl.ds(sid * RPS, RPS)])
    pltpu.sync_copy(src3d_hbm.at[pl.ds(wid * CH, CH)], sbuf)
    pltpu.sync_copy(dst3d_hbm.at[pl.ds(wid * CH, CH)], dbuf)
    for i in range(K // 16):
        ones_v[pl.ds(i * 16, 16)] = jnp.ones((16,), jnp.float32)
    plsc.subcore_barrier()

    def fire(j, _):
        pltpu.async_copy(ones_v, dego_sh.at[sbuf.at[j, 0]], osem, add=True)
        pltpu.async_copy(ones_v, degi_sh.at[dbuf.at[j, 0]], isem, add=True)
        return 0

    lax.fori_loop(0, CH, fire, 0)

    def drain(j, _):
        pltpu.make_async_copy(ones_v, dego_sh.at[sbuf.at[0, 0]], osem).wait()
        pltpu.make_async_copy(ones_v, degi_sh.at[dbuf.at[0, 0]], isem).wait()
        return 0

    lax.fori_loop(0, CH, drain, 0)
    plsc.subcore_barrier()
    pltpu.sync_copy(dego_sh.at[pl.ds(sid * RPS, RPS)],
                    out_hbm.at[cid, 0, pl.ds(sid * RPS, RPS)])
    pltpu.sync_copy(degi_sh.at[pl.ds(sid * RPS, RPS)],
                    out_hbm.at[cid, 1, pl.ds(sid * RPS, RPS)])


@functools.partial(
    pl.kernel,
    out_type=jax.ShapeDtypeStruct((NC, NPAD, D), jnp.float32),
    mesh=_mesh,
    scratch_types=[
        pltpu.VMEM((K,), jnp.int32),
        pltpu.VMEM((K,), jnp.int32),
        pltpu.VMEM((K,), jnp.int32),
        pltpu.VMEM((K,), jnp.int32),
        pltpu.VMEM((K, D), jnp.float32),
        pltpu.VMEM((K, D), jnp.float32),
        pltpu.VMEM_SHARED((NPAD, D), jnp.float32),
        pltpu.SemaphoreType.DMA,
        pltpu.SemaphoreType.DMA,
        pltpu.SemaphoreType.DMA,
        pltpu.SemaphoreType.DMA,
    ],
)
def _agg(h_hbm, src_hbm, dst_hbm, zrows_hbm, agg_hbm,
         si0, si1, di0, di1, r0, r1, acc_sh, gs0, gs1, ss0, ss1):
    sidx = [si0, si1]
    didx = [di0, di1]
    rows = [r0, r1]
    gsem = [gs0, gs1]
    ssem = [ss0, ss1]
    cid = lax.axis_index("c")
    sid = lax.axis_index("s")
    nch = CH0 + cid * (CH1 - CH0)
    startc = cid * NS * CH0 + sid * nch
    pltpu.sync_copy(zrows_hbm, acc_sh.at[pl.ds(sid * RPS, RPS)])
    plsc.subcore_barrier()

    pltpu.sync_copy(src_hbm.at[pl.ds(startc * K, K)], sidx[0])
    pltpu.sync_copy(dst_hbm.at[pl.ds(startc * K, K)], didx[0])
    pltpu.async_copy(h_hbm.at[sidx[0]], rows[0], gsem[0])

    def pair(t, _):
        for g in range(2):
            j = t * 2 + g
            o = 1 - g
            nj = j + 1

            @pl.when(nj < nch)
            def _():
                @pl.when(nj >= 2)
                def _():
                    pltpu.make_async_copy(rows[o], acc_sh.at[didx[o]],
                                          ssem[o]).wait()
                base = (startc + nj) * K
                pltpu.sync_copy(src_hbm.at[pl.ds(base, K)], sidx[o])
                pltpu.sync_copy(dst_hbm.at[pl.ds(base, K)], didx[o])
                pltpu.async_copy(h_hbm.at[sidx[o]], rows[o], gsem[o])

            pltpu.make_async_copy(h_hbm.at[sidx[g]], rows[g], gsem[g]).wait()
            pltpu.async_copy(rows[g], acc_sh.at[didx[g]], ssem[g], add=True)
        return 0

    lax.fori_loop(0, nch // 2, pair, 0)
    for g in range(2):
        pltpu.make_async_copy(rows[g], acc_sh.at[didx[g]], ssem[g]).wait()
    plsc.subcore_barrier()
    pltpu.sync_copy(acc_sh.at[pl.ds(sid * RPS, RPS)],
                    agg_hbm.at[cid, pl.ds(sid * RPS, RPS)])


def _h_body(x_ref, degp_ref, h_ref):
    deg = degp_ref[:, 0] + degp_ref[:, 1]
    norm = lax.rsqrt(jnp.maximum(deg, 1.0))
    h_ref[...] = x_ref[...] * norm[:, None]


def _final_body(x_ref, aggp_ref, degp_ref, w_ref, b_ref, o_ref):
    agg = aggp_ref[0] + aggp_ref[1]
    deg = degp_ref[:, 0] + degp_ref[:, 1]
    norm = lax.rsqrt(jnp.maximum(deg, 1.0))
    rst = jnp.dot(agg * norm[:, None], w_ref[...],
                  preferred_element_type=jnp.float32)
    o_ref[...] = x_ref[...] + rst + b_ref[...]


def kernel(x, edge_index, W, b):
    N, d = x.shape
    E = edge_index.shape[1]
    pad_val = jnp.int32(N)
    src_p = jnp.concatenate(
        [edge_index[0].astype(jnp.int32), jnp.full((EPAD - E,), pad_val)])
    dst_p = jnp.concatenate(
        [edge_index[1].astype(jnp.int32), jnp.full((EPAD - E,), pad_val)])
    src3d = src_p.reshape(NW * CH, 1, K)
    dst3d = dst_p.reshape(NW * CH, 1, K)
    zrow = jnp.zeros((RPS,), jnp.float32)
    zrows = jnp.zeros((RPS, D), jnp.float32)

    degs = _hist(src3d, dst3d, zrow)
    dego_p = degs[:, 0, :].T
    degi_p = degs[:, 1, :].T

    x_pad = jnp.pad(x, ((0, NPAD - N), (0, 0)))
    HB = 512
    h_pad = pl.pallas_call(
        _h_body,
        grid=(NPAD // HB,),
        in_specs=[
            pl.BlockSpec((HB, D), lambda i: (i, 0)),
            pl.BlockSpec((HB, NC), lambda i: (i, 0)),
        ],
        out_specs=pl.BlockSpec((HB, D), lambda i: (i, 0)),
        out_shape=jax.ShapeDtypeStruct((NPAD, D), jnp.float32),
    )(x_pad, dego_p)

    aggp = _agg(h_pad, src_p, dst_p, zrows)

    FB = 400
    out = pl.pallas_call(
        _final_body,
        grid=(N // FB,),
        in_specs=[
            pl.BlockSpec((FB, D), lambda i: (i, 0)),
            pl.BlockSpec((NC, FB, D), lambda i: (0, i, 0)),
            pl.BlockSpec((FB, NC), lambda i: (i, 0)),
            pl.BlockSpec((D, D), lambda i: (0, 0)),
            pl.BlockSpec((1, D), lambda i: (0, 0)),
        ],
        out_specs=pl.BlockSpec((FB, D), lambda i: (i, 0)),
        out_shape=jax.ShapeDtypeStruct((N, D), jnp.float32),
    )(x, aggp, degi_p, W, b.reshape(1, D))
    return out

# --- scband reference (transcript-rebuilt; emitter-appended) ---
"""Pipeline reference for scband-gcnlayer-11690900979875 (READ-ONLY COPY).

The authoritative reference and input builder live on the scoring server;
editing this copy changes nothing except your own understanding.
"""

import jax, jax.numpy as jnp
import numpy as np

N_NODES = 10000
N_EDGES = 320000
D = 128


def setup_inputs(seed: int = 0) -> dict:
    key = jax.random.key(seed)
    k1, k2, k3 = jax.random.split(key, 3)
    x = jax.random.normal(k1, (N_NODES, D), dtype=jnp.float32)
    edge_index = jax.random.randint(k2, (2, N_EDGES), 0, N_NODES)
    # GraphConv learned params (DGL GraphConv: weight [in,out], bias [out])
    W = jax.random.normal(k3, (D, D), dtype=jnp.float32) * (1.0 / np.sqrt(D))
    b = jnp.zeros((D,), dtype=jnp.float32)
    return {"x": x, "edge_index": edge_index, "W": W, "b": b}


def reference(x, edge_index, W, b):
    # DGL GraphConv with norm='both', allow_zero_in_degree=True,
    # followed by GCNLayer wrapper: batch_norm=False, activation=None,
    # residual=True (in_dim==out_dim), dropout=0.0 (identity).
    src = edge_index[0]
    dst = edge_index[1]
    N = x.shape[0]
    deg_out = jnp.clip(jnp.bincount(src, length=N), 1, None).astype(x.dtype)
    deg_in = jnp.clip(jnp.bincount(dst, length=N), 1, None).astype(x.dtype)
    norm_src = deg_out ** -0.5
    norm_dst = deg_in ** -0.5
    # in_feats == out_feats -> aggregate first, then matmul (same math)
    h = x * norm_src[:, None]
    msg = jnp.take(h, src, axis=0)
    agg = jax.ops.segment_sum(msg, dst, num_segments=N)
    rst = agg * norm_dst[:, None]
    rst = rst @ W + b
    out = x + rst  # residual connection
    return out

if __name__ == "__main__":
    import jax
    _d = setup_inputs()
    print(jax.jit(kernel)(*tuple(_d.values())))

</pallas_src>

<mosaic_0001>
#map = affine_map<(d0, d1) -> (0, 0, 0)>
#map1 = affine_map<(d0, d1) -> (0)>
module attributes {stable_mosaic.version = 14 : i64} {
  func.func @_hist(%arg0: i32, %arg1: i32, %arg2: memref<2560x1x128xi32, #tpu.memory_space<hbm>>, %arg3: memref<2560x1x128xi32, #tpu.memory_space<hbm>>, %arg4: memref<640xf32, #tpu.memory_space<hbm>>, %arg5: memref<2x2x10240xf32, #tpu.memory_space<hbm>>, %arg6: memref<80x1x128xi32, #tpu.memory_space<vmem>>, %arg7: memref<80x1x128xi32, #tpu.memory_space<vmem>>, %arg8: memref<128xf32, #tpu.memory_space<vmem>>, %arg9: memref<10240xf32, #tpu.memory_space<vmem_shared>>, %arg10: memref<10240xf32, #tpu.memory_space<vmem_shared>>, %arg11: memref<!tpu.dma_semaphore, #tpu.memory_space<semaphore_mem>>, %arg12: memref<!tpu.dma_semaphore, #tpu.memory_space<semaphore_mem>>) attributes {dimension_semantics = [#tpu.dimension_semantics<core_parallel>, #tpu.dimension_semantics<subcore_parallel>], iteration_bounds = array<i64: 2, 16>, scalar_prefetch = 0 : i64, scratch_operands = 7 : i64, tpu.core_type = #tpu.core_type<sc_vector_subcore>, window_params = [{transform_indices = #map}, {transform_indices = #map}, {transform_indices = #map1}, {transform_indices = #map}]} {
    %mul3A = arith.constant 2 : i32
    %mul3A_0 = arith.muli %arg1, %mul3A : i32
    %add3A = arith.addi %mul3A_0, %arg0 : i32
    %mul3A_1 = arith.constant 640 : i32
    %mul3A_2 = arith.muli %arg1, %mul3A_1 : i32
    "tpu.region"() ({
      %run_scoped3A_78 = tpu.sem_alloc : memref<!tpu.dma_semaphore, #tpu.memory_space<semaphore_mem>>
      %dma_start3A = tpu.memref_slice %arg9[%mul3A_2] : memref<10240xf32, #tpu.memory_space<vmem_shared>> -> memref<640xf32, #tpu.memory_space<vmem_shared>>
      tpu.enqueue_dma source(%arg4 : memref<640xf32, #tpu.memory_space<hbm>>) target(%dma_start3A : memref<640xf32, #tpu.memory_space<vmem_shared>>) target_semaphore(%run_scoped3A_78 : memref<!tpu.dma_semaphore, #tpu.memory_space<semaphore_mem>>)
      %dma_wait3A = tpu.memref_slice %arg9[%mul3A_2] : memref<10240xf32, #tpu.memory_space<vmem_shared>> -> memref<640xf32, #tpu.memory_space<vmem_shared>>
      tpu.wait_dma2 semaphore(%run_scoped3A_78 : memref<!tpu.dma_semaphore, #tpu.memory_space<semaphore_mem>>) src(%arg4 : memref<640xf32, #tpu.memory_space<hbm>>) dst(%dma_wait3A : memref<640xf32, #tpu.memory_space<vmem_shared>>)
      tpu.yield
    }) : () -> ()
    %mul3A_3 = arith.constant 640 : i32
    %mul3A_4 = arith.muli %arg1, %mul3A_3 : i32
    "tpu.region"() ({
      %run_scoped3A_78 = tpu.sem_alloc : memref<!tpu.dma_semaphore, #tpu.memory_space<semaphore_mem>>
      %dma_start3A = tpu.memref_slice %arg10[%mul3A_4] : memref<10240xf32, #tpu.memory_space<vmem_shared>> -> memref<640xf32, #tpu.memory_space<vmem_shared>>
      tpu.enqueue_dma source(%arg4 : memref<640xf32, #tpu.memory_space<hbm>>) target(%dma_start3A : memref<640xf32, #tpu.memory_space<vmem_shared>>) target_semaphore(%run_scoped3A_78 : memref<!tpu.dma_semaphore, #tpu.memory_space<semaphore_mem>>)
      %dma_wait3A = tpu.memref_slice %arg10[%mul3A_4] : memref<10240xf32, #tpu.memory_space<vmem_shared>> -> memref<640xf32, #tpu.memory_space<vmem_shared>>
      tpu.wait_dma2 semaphore(%run_scoped3A_78 : memref<!tpu.dma_semaphore, #tpu.memory_space<semaphore_mem>>) src(%arg4 : memref<640xf32, #tpu.memory_space<hbm>>) dst(%dma_wait3A : memref<640xf32, #tpu.memory_space<vmem_shared>>)
      tpu.yield
    }) : () -> ()
    %mul3A_5 = arith.constant 80 : i32
    %mul3A_6 = arith.muli %add3A, %mul3A_5 : i32
    "tpu.region"() ({
      %run_scoped3A_78 = tpu.sem_alloc : memref<!tpu.dma_semaphore, #tpu.memory_space<semaphore_mem>>
      %dma_start3A = arith.constant 0 : i32
      %dma_start3A_79 = arith.constant 0 : i32
      %dma_start3A_80 = tpu.memref_slice %arg2[%mul3A_6, %dma_start3A, %dma_start3A_79] : memref<2560x1x128xi32, #tpu.memory_space<hbm>> -> memref<80x1x128xi32, #tpu.memory_space<hbm>>
      %dma_start3A_81 = arith.constant 0 : i32
      %dma_start3A_82 = arith.constant 0 : i32
      %dma_start3A_83 = tpu.memref_slice %arg2[%mul3A_6, %dma_start3A_81, %dma_start3A_82] : memref<2560x1x128xi32, #tpu.memory_space<hbm>> -> memref<80x1x128xi32, #tpu.memory_space<hbm>>
      tpu.enqueue_dma source(%dma_start3A_83 : memref<80x1x128xi32, #tpu.memory_space<hbm>>) target(%arg6 : memref<80x1x128xi32, #tpu.memory_space<vmem>>) target_semaphore(%run_scoped3A_78 : memref<!tpu.dma_semaphore, #tpu.memory_space<semaphore_mem>>)
      %dma_wait3A = arith.constant 0 : i32
      %dma_wait3A_84 = arith.constant 0 : i32
      %dma_wait3A_85 = tpu.memref_slice %arg2[%mul3A_6, %dma_wait3A, %dma_wait3A_84] : memref<2560x1x128xi32, #tpu.memory_space<hbm>> -> memref<80x1x128xi32, #tpu.memory_space<hbm>>
      %dma_wait3A_86 = arith.constant 0 : i32
      %dma_wait3A_87 = arith.constant 0 : i32
      %dma_wait3A_88 = tpu.memref_slice %arg2[%mul3A_6, %dma_wait3A_86, %dma_wait3A_87] : memref<2560x1x128xi32, #tpu.memory_space<hbm>> -> memref<80x1x128xi32, #tpu.memory_space<hbm>>
      tpu.wait_dma2 semaphore(%run_scoped3A_78 : memref<!tpu.dma_semaphore, #tpu.memory_space<semaphore_mem>>) src(%dma_wait3A_88 : memref<80x1x128xi32, #tpu.memory_space<hbm>>) dst(%arg6 : memref<80x1x128xi32, #tpu.memory_space<vmem>>)
      tpu.yield
    }) : () -> ()
    %mul3A_7 = arith.constant 80 : i32
    %mul3A_8 = arith.muli %add3A, %mul3A_7 : i32
    "tpu.region"() ({
      %run_scoped3A_78 = tpu.sem_alloc : memref<!tpu.dma_semaphore, #tpu.memory_space<semaphore_mem>>
      %dma_start3A = arith.constant 0 : i32
      %dma_start3A_79 = arith.constant 0 : i32
      %dma_start3A_80 = tpu.memref_slice %arg3[%mul3A_8, %dma_start3A, %dma_start3A_79] : memref<2560x1x128xi32, #tpu.memory_space<hbm>> -> memref<80x1x128xi32, #tpu.memory_space<hbm>>
      %dma_start3A_81 = arith.constant 0 : i32
      %dma_start3A_82 = arith.constant 0 : i32
      %dma_start3A_83 = tpu.memref_slice %arg3[%mul3A_8, %dma_start3A_81, %dma_start3A_82] : memref<2560x1x128xi32, #tpu.memory_space<hbm>> -> memref<80x1x128xi32, #tpu.memory_space<hbm>>
      tpu.enqueue_dma source(%dma_start3A_83 : memref<80x1x128xi32, #tpu.memory_space<hbm>>) target(%arg7 : memref<80x1x128xi32, #tpu.memory_space<vmem>>) target_semaphore(%run_scoped3A_78 : memref<!tpu.dma_semaphore, #tpu.memory_space<semaphore_mem>>)
      %dma_wait3A = arith.constant 0 : i32
      %dma_wait3A_84 = arith.constant 0 : i32
      %dma_wait3A_85 = tpu.memref_slice %arg3[%mul3A_8, %dma_wait3A, %dma_wait3A_84] : memref<2560x1x128xi32, #tpu.memory_space<hbm>> -> memref<80x1x128xi32, #tpu.memory_space<hbm>>
      %dma_wait3A_86 = arith.constant 0 : i32
      %dma_wait3A_87 = arith.constant 0 : i32
      %dma_wait3A_88 = tpu.memref_slice %arg3[%mul3A_8, %dma_wait3A_86, %dma_wait3A_87] : memref<2560x1x128xi32, #tpu.memory_space<hbm>> -> memref<80x1x128xi32, #tpu.memory_space<hbm>>
      tpu.wait_dma2 semaphore(%run_scoped3A_78 : memref<!tpu.dma_semaphore, #tpu.memory_space<semaphore_mem>>) src(%dma_wait3A_88 : memref<80x1x128xi32, #tpu.memory_space<hbm>>) dst(%arg7 : memref<80x1x128xi32, #tpu.memory_space<vmem>>)
      tpu.yield
    }) : () -> ()
    %broadcast_in_dim3A = arith.constant 1.000000e+00 : f32
    %broadcast_in_dim3A_9 = vector.broadcast %broadcast_in_dim3A : f32 to vector<16xf32>
    %swap3A = arith.constant 0 : index
    %swap3A_10 = tpu.vector_load %arg8[%swap3A] {strides = array<i32>} : memref<128xf32, #tpu.memory_space<vmem>>, vector<16xf32>,
    %swap3A_11 = vector.shape_cast %swap3A_10 : vector<16xf32> to vector<16xf32>
    %swap3A_12 = vector.shape_cast %broadcast_in_dim3A_9 : vector<16xf32> to vector<16xf32>
    tpu.vector_store %arg8[%swap3A], %swap3A_12 {strides = array<i32>} : memref<128xf32, #tpu.memory_space<vmem>>, vector<16xf32>,
    %broadcast_in_dim3A_13 = arith.constant 1.000000e+00 : f32
    %broadcast_in_dim3A_14 = vector.broadcast %broadcast_in_dim3A_13 : f32 to vector<16xf32>
    %swap3A_15 = arith.constant 16 : index
    %swap3A_16 = tpu.vector_load %arg8[%swap3A_15] {strides = array<i32>} : memref<128xf32, #tpu.memory_space<vmem>>, vector<16xf32>,
    %swap3A_17 = vector.shape_cast %swap3A_16 : vector<16xf32> to vector<16xf32>
    %swap3A_18 = vector.shape_cast %broadcast_in_dim3A_14 : vector<16xf32> to vector<16xf32>
    tpu.vector_store %arg8[%swap3A_15], %swap3A_18 {strides = array<i32>} : memref<128xf32, #tpu.memory_space<vmem>>, vector<16xf32>,
    %broadcast_in_dim3A_19 = arith.constant 1.000000e+00 : f32
    %broadcast_in_dim3A_20 = vector.broadcast %broadcast_in_dim3A_19 : f32 to vector<16xf32>
    %swap3A_21 = arith.constant 32 : index
    %swap3A_22 = tpu.vector_load %arg8[%swap3A_21] {strides = array<i32>} : memref<128xf32, #tpu.memory_space<vmem>>, vector<16xf32>,
    %swap3A_23 = vector.shape_cast %swap3A_22 : vector<16xf32> to vector<16xf32>
    %swap3A_24 = vector.shape_cast %broadcast_in_dim3A_20 : vector<16xf32> to vector<16xf32>
    tpu.vector_store %arg8[%swap3A_21], %swap3A_24 {strides = array<i32>} : memref<128xf32, #tpu.memory_space<vmem>>, vector<16xf32>,
    %broadcast_in_dim3A_25 = arith.constant 1.000000e+00 : f32
    %broadcast_in_dim3A_26 = vector.broadcast %broadcast_in_dim3A_25 : f32 to vector<16xf32>
    %swap3A_27 = arith.constant 48 : index
    %swap3A_28 = tpu.vector_load %arg8[%swap3A_27] {strides = array<i32>} : memref<128xf32, #tpu.memory_space<vmem>>, vector<16xf32>,
    %swap3A_29 = vector.shape_cast %swap3A_28 : vector<16xf32> to vector<16xf32>
    %swap3A_30 = vector.shape_cast %broadcast_in_dim3A_26 : vector<16xf32> to vector<16xf32>
    tpu.vector_store %arg8[%swap3A_27], %swap3A_30 {strides = array<i32>} : memref<128xf32, #tpu.memory_space<vmem>>, vector<16xf32>,
    %broadcast_in_dim3A_31 = arith.constant 1.000000e+00 : f32
    %broadcast_in_dim3A_32 = vector.broadcast %broadcast_in_dim3A_31 : f32 to vector<16xf32>
    %swap3A_33 = arith.constant 64 : index
    %swap3A_34 = tpu.vector_load %arg8[%swap3A_33] {strides = array<i32>} : memref<128xf32, #tpu.memory_space<vmem>>, vector<16xf32>,
    %swap3A_35 = vector.shape_cast %swap3A_34 : vector<16xf32> to vector<16xf32>
    %swap3A_36 = vector.shape_cast %broadcast_in_dim3A_32 : vector<16xf32> to vector<16xf32>
    tpu.vector_store %arg8[%swap3A_33], %swap3A_36 {strides = array<i32>} : memref<128xf32, #tpu.memory_space<vmem>>, vector<16xf32>,
    %broadcast_in_dim3A_37 = arith.constant 1.000000e+00 : f32
    %broadcast_in_dim3A_38 = vector.broadcast %broadcast_in_dim3A_37 : f32 to vector<16xf32>
    %swap3A_39 = arith.constant 80 : index
    %swap3A_40 = tpu.vector_load %arg8[%swap3A_39] {strides = array<i32>} : memref<128xf32, #tpu.memory_space<vmem>>, vector<16xf32>,
    %swap3A_41 = vector.shape_cast %swap3A_40 : vector<16xf32> to vector<16xf32>
    %swap3A_42 = vector.shape_cast %broadcast_in_dim3A_38 : vector<16xf32> to vector<16xf32>
    tpu.vector_store %arg8[%swap3A_39], %swap3A_42 {strides = array<i32>} : memref<128xf32, #tpu.memory_space<vmem>>, vector<16xf32>,
    %broadcast_in_dim3A_43 = arith.constant 1.000000e+00 : f32
    %broadcast_in_dim3A_44 = vector.broadcast %broadcast_in_dim3A_43 : f32 to vector<16xf32>
    %swap3A_45 = arith.constant 96 : index
    %swap3A_46 = tpu.vector_load %arg8[%swap3A_45] {strides = array<i32>} : memref<128xf32, #tpu.memory_space<vmem>>, vector<16xf32>,
    %swap3A_47 = vector.shape_cast %swap3A_46 : vector<16xf32> to vector<16xf32>
    %swap3A_48 = vector.shape_cast %broadcast_in_dim3A_44 : vector<16xf32> to vector<16xf32>
    tpu.vector_store %arg8[%swap3A_45], %swap3A_48 {strides = array<i32>} : memref<128xf32, #tpu.memory_space<vmem>>, vector<16xf32>,
    %broadcast_in_dim3A_49 = arith.constant 1.000000e+00 : f32
    %broadcast_in_dim3A_50 = vector.broadcast %broadcast_in_dim3A_49 : f32 to vector<16xf32>
    %swap3A_51 = arith.constant 112 : index
    %swap3A_52 = tpu.vector_load %arg8[%swap3A_51] {strides = array<i32>} : memref<128xf32, #tpu.memory_space<vmem>>, vector<16xf32>,
    %swap3A_53 = vector.shape_cast %swap3A_52 : vector<16xf32> to vector<16xf32>
    %swap3A_54 = vector.shape_cast %broadcast_in_dim3A_50 : vector<16xf32> to vector<16xf32>
    tpu.vector_store %arg8[%swap3A_51], %swap3A_54 {strides = array<i32>} : memref<128xf32, #tpu.memory_space<vmem>>, vector<16xf32>,
    %barrier3A = arith.constant 0 : index
    tpu.barrier barrier_id(%barrier3A)
    %scan3A = arith.constant 0 : i32
    %scan3A_55 = arith.constant 0 : i32
    %scan3A_56 = arith.constant 80 : i32
    %scan3A_57 = arith.addi %scan3A_55, %scan3A_56 : i32
    %scan3A_58 = arith.constant 1 : i32
    %scan3A_59 = scf.for %scan3A_78 = %scan3A_55 to %scan3A_57 step %scan3A_58 iter_args(%scan3A_79 = %scan3A) -> (i32)  : i32 {
      %dma_start3A = arith.constant 0 : i32
      %dma_start3A_80 = arith.constant 0 : i32
      %dma_start3A_81 = tpu.memref_slice %arg6[%scan3A_78, %dma_start3A, %dma_start3A_80] : memref<80x1x128xi32, #tpu.memory_space<vmem>> -> memref<1x1x128xi32, #tpu.memory_space<vmem>>
      %dma_start3A_82 = tpu.memref_squeeze %dma_start3A_81 : memref<1x1x128xi32, #tpu.memory_space<vmem>> -> memref<128xi32, #tpu.memory_space<vmem>>
      %dma_start3A_83 = arith.constant 0 : i32
      %dma_start3A_84 = tpu.memref_slice %arg9[%dma_start3A_83] : memref<10240xf32, #tpu.memory_space<vmem_shared>> -> memref<10240xf32, #tpu.memory_space<vmem_shared>>
      tpu.enqueue_indirect_dma source(%arg8 : memref<128xf32, #tpu.memory_space<vmem>>) target(%dma_start3A_84 : memref<10240xf32, #tpu.memory_space<vmem_shared>>) offsets(%dma_start3A_82 : memref<128xi32, #tpu.memory_space<vmem>>) semaphore(%arg11 : memref<!tpu.dma_semaphore, #tpu.memory_space<semaphore_mem>>) {add = true}
      %dma_start3A_85 = arith.constant 0 : i32
      %dma_start3A_86 = arith.constant 0 : i32
      %dma_start3A_87 = tpu.memref_slice %arg7[%scan3A_78, %dma_start3A_85, %dma_start3A_86] : memref<80x1x128xi32, #tpu.memory_space<vmem>> -> memref<1x1x128xi32, #tpu.memory_space<vmem>>
      %dma_start3A_88 = tpu.memref_squeeze %dma_start3A_87 : memref<1x1x128xi32, #tpu.memory_space<vmem>> -> memref<128xi32, #tpu.memory_space<vmem>>
      %dma_start3A_89 = arith.constant 0 : i32
      %dma_start3A_90 = tpu.memref_slice %arg10[%dma_start3A_89] : memref<10240xf32, #tpu.memory_space<vmem_shared>> -> memref<10240xf32, #tpu.memory_space<vmem_shared>>
      tpu.enqueue_indirect_dma source(%arg8 : memref<128xf32, #tpu.memory_space<vmem>>) target(%dma_start3A_90 : memref<10240xf32, #tpu.memory_space<vmem_shared>>) offsets(%dma_start3A_88 : memref<128xi32, #tpu.memory_space<vmem>>) semaphore(%arg12 : memref<!tpu.dma_semaphore, #tpu.memory_space<semaphore_mem>>) {add = true}
      %scan3A_91 = arith.constant 0 : i32
      scf.yield %scan3A_91 : i32
    }
    %scan3A_60 = arith.constant 80 : i32
    %scan3A_61 = arith.constant 0 : i32
    %scan3A_62 = arith.constant 0 : i32
    %scan3A_63 = arith.constant 80 : i32
    %scan3A_64 = arith.addi %scan3A_62, %scan3A_63 : i32
    %scan3A_65 = arith.constant 1 : i32
    %scan3A_66 = scf.for %scan3A_78 = %scan3A_62 to %scan3A_64 step %scan3A_65 iter_args(%scan3A_79 = %scan3A_61) -> (i32)  : i32 {
      %dma_wait3A = arith.constant 0 : i32
      %dma_wait3A_80 = arith.constant 0 : i32
      %dma_wait3A_81 = arith.constant 0 : i32
      %dma_wait3A_82 = tpu.memref_slice %arg6[%dma_wait3A, %dma_wait3A_80, %dma_wait3A_81] : memref<80x1x128xi32, #tpu.memory_space<vmem>> -> memref<1x1x128xi32, #tpu.memory_space<vmem>>
      %dma_wait3A_83 = tpu.memref_squeeze %dma_wait3A_82 : memref<1x1x128xi32, #tpu.memory_space<vmem>> -> memref<128xi32, #tpu.memory_space<vmem>>
      %dma_wait3A_84 = arith.constant 0 : i32
      %dma_wait3A_85 = tpu.memref_slice %arg9[%dma_wait3A_84] : memref<10240xf32, #tpu.memory_space<vmem_shared>> -> memref<10240xf32, #tpu.memory_space<vmem_shared>>
      tpu.wait_indirect_dma semaphore(%arg11 : memref<!tpu.dma_semaphore, #tpu.memory_space<semaphore_mem>>) src(%arg8 : memref<128xf32, #tpu.memory_space<vmem>>) dst(%dma_wait3A_85 : memref<10240xf32, #tpu.memory_space<vmem_shared>>)
      %dma_wait3A_86 = arith.constant 0 : i32
      %dma_wait3A_87 = arith.constant 0 : i32
      %dma_wait3A_88 = arith.constant 0 : i32
      %dma_wait3A_89 = tpu.memref_slice %arg7[%dma_wait3A_86, %dma_wait3A_87, %dma_wait3A_88] : memref<80x1x128xi32, #tpu.memory_space<vmem>> -> memref<1x1x128xi32, #tpu.memory_space<vmem>>
      %dma_wait3A_90 = tpu.memref_squeeze %dma_wait3A_89 : memref<1x1x128xi32, #tpu.memory_space<vmem>> -> memref<128xi32, #tpu.memory_space<vmem>>
      %dma_wait3A_91 = arith.constant 0 : i32
      %dma_wait3A_92 = tpu.memref_slice %arg10[%dma_wait3A_91] : memref<10240xf32, #tpu.memory_space<vmem_shared>> -> memref<10240xf32, #tpu.memory_space<vmem_shared>>
      tpu.wait_indirect_dma semaphore(%arg12 : memref<!tpu.dma_semaphore, #tpu.memory_space<semaphore_mem>>) src(%arg8 : memref<128xf32, #tpu.memory_space<vmem>>) dst(%dma_wait3A_92 : memref<10240xf32, #tpu.memory_space<vmem_shared>>)
      %scan3A_93 = arith.constant 0 : i32
      scf.yield %scan3A_93 : i32
    }
    %scan3A_67 = arith.constant 80 : i32
    %barrier3A_68 = arith.constant 0 : index
    tpu.barrier barrier_id(%barrier3A_68)
    %mul3A_69 = arith.constant 640 : i32
    %mul3A_70 = arith.muli %arg1, %mul3A_69 : i32
    %mul3A_71 = arith.constant 640 : i32
    %mul3A_72 = arith.muli %arg1, %mul3A_71 : i32
    %run_scoped3A = arith.constant 0 : i32
    "tpu.region"() ({
      %run_scoped3A_78 = tpu.sem_alloc : memref<!tpu.dma_semaphore, #tpu.memory_space<semaphore_mem>>
      %dma_start3A = tpu.memref_slice %arg5[%arg0, %run_scoped3A, %mul3A_72] : memref<2x2x10240xf32, #tpu.memory_space<hbm>> -> memref<1x1x640xf32, #tpu.memory_space<hbm>>
      %dma_start3A_79 = tpu.memref_squeeze %dma_start3A : memref<1x1x640xf32, #tpu.memory_space<hbm>> -> memref<640xf32, #tpu.memory_space<hbm>>
      %dma_start3A_80 = tpu.memref_slice %arg9[%mul3A_70] : memref<10240xf32, #tpu.memory_space<vmem_shared>> -> memref<640xf32, #tpu.memory_space<vmem_shared>>
      tpu.enqueue_dma source(%dma_start3A_80 : memref<640xf32, #tpu.memory_space<vmem_shared>>) target(%dma_start3A_79 : memref<640xf32, #tpu.memory_space<hbm>>) target_semaphore(%run_scoped3A_78 : memref<!tpu.dma_semaphore, #tpu.memory_space<semaphore_mem>>)
      %dma_wait3A = tpu.memref_slice %arg5[%arg0, %run_scoped3A, %mul3A_72] : memref<2x2x10240xf32, #tpu.memory_space<hbm>> -> memref<1x1x640xf32, #tpu.memory_space<hbm>>
      %dma_wait3A_81 = tpu.memref_squeeze %dma_wait3A : memref<1x1x640xf32, #tpu.memory_space<hbm>> -> memref<640xf32, #tpu.memory_space<hbm>>
      %dma_wait3A_82 = tpu.memref_slice %arg9[%mul3A_70] : memref<10240xf32, #tpu.memory_space<vmem_shared>> -> memref<640xf32, #tpu.memory_space<vmem_shared>>
      tpu.wait_dma2 semaphore(%run_scoped3A_78 : memref<!tpu.dma_semaphore, #tpu.memory_space<semaphore_mem>>) src(%dma_wait3A_82 : memref<640xf32, #tpu.memory_space<vmem_shared>>) dst(%dma_wait3A_81 : memref<640xf32, #tpu.memory_space<hbm>>)
      tpu.yield
    }) : () -> ()
    %mul3A_73 = arith.constant 640 : i32
    %mul3A_74 = arith.muli %arg1, %mul3A_73 : i32
    %mul3A_75 = arith.constant 640 : i32
    %mul3A_76 = arith.muli %arg1, %mul3A_75 : i32
    %run_scoped3A_77 = arith.constant 1 : i32
    "tpu.region"() ({
      %run_scoped3A_78 = tpu.sem_alloc : memref<!tpu.dma_semaphore, #tpu.memory_space<semaphore_mem>>
      %dma_start3A = tpu.memref_slice %arg5[%arg0, %run_scoped3A_77, %mul3A_76] : memref<2x2x10240xf32, #tpu.memory_space<hbm>> -> memref<1x1x640xf32, #tpu.memory_space<hbm>>
      %dma_start3A_79 = tpu.memref_squeeze %dma_start3A : memref<1x1x640xf32, #tpu.memory_space<hbm>> -> memref<640xf32, #tpu.memory_space<hbm>>
      %dma_start3A_80 = tpu.memref_slice %arg10[%mul3A_74] : memref<10240xf32, #tpu.memory_space<vmem_shared>> -> memref<640xf32, #tpu.memory_space<vmem_shared>>
      tpu.enqueue_dma source(%dma_start3A_80 : memref<640xf32, #tpu.memory_space<vmem_shared>>) target(%dma_start3A_79 : memref<640xf32, #tpu.memory_space<hbm>>) target_semaphore(%run_scoped3A_78 : memref<!tpu.dma_semaphore, #tpu.memory_space<semaphore_mem>>)
      %dma_wait3A = tpu.memref_slice %arg5[%arg0, %run_scoped3A_77, %mul3A_76] : memref<2x2x10240xf32, #tpu.memory_space<hbm>> -> memref<1x1x640xf32, #tpu.memory_space<hbm>>
      %dma_wait3A_81 = tpu.memref_squeeze %dma_wait3A : memref<1x1x640xf32, #tpu.memory_space<hbm>> -> memref<640xf32, #tpu.memory_space<hbm>>
      %dma_wait3A_82 = tpu.memref_slice %arg10[%mul3A_74] : memref<10240xf32, #tpu.memory_space<vmem_shared>> -> memref<640xf32, #tpu.memory_space<vmem_shared>>
      tpu.wait_dma2 semaphore(%run_scoped3A_78 : memref<!tpu.dma_semaphore, #tpu.memory_space<semaphore_mem>>) src(%dma_wait3A_82 : memref<640xf32, #tpu.memory_space<vmem_shared>>) dst(%dma_wait3A_81 : memref<640xf32, #tpu.memory_space<hbm>>)
      tpu.yield
    }) : () -> ()
    return
  }
}

#map = affine_map<(d0, d1) -> (0, 0)>
#map1 = affine_map<(d0, d1) -> (0)>
#map2 = affine_map<(d0, d1) -> (0, 0, 0)>
module attributes {stable_mosaic.version = 14 : i64} {
  func.func @_agg(%arg0: i32, %arg1: i32, %arg2: memref<10240x128xf32, #tpu.memory_space<hbm>>, %arg3: memref<327680xi32, #tpu.memory_space<hbm>>, %arg4: memref<327680xi32, #tpu.memory_space<hbm>>, %arg5: memref<640x128xf32, #tpu.memory_space<hbm>>, %arg6: memref<2x10240x128xf32, #tpu.memory_space<hbm>>, %arg7: memref<128xi32, #tpu.memory_space<vmem>>, %arg8: memref<128xi32, #tpu.memory_space<vmem>>, %arg9: memref<128xi32, #tpu.memory_space<vmem>>, %arg10: memref<128xi32, #tpu.memory_space<vmem>>, %arg11: memref<128x128xf32, #tpu.memory_space<vmem>>, %arg12: memref<128x128xf32, #tpu.memory_space<vmem>>, %arg13: memref<10240x128xf32, #tpu.memory_space<vmem_shared>>, %arg14: memref<!tpu.dma_semaphore, #tpu.memory_space<semaphore_mem>>, %arg15: memref<!tpu.dma_semaphore, #tpu.memory_space<semaphore_mem>>, %arg16: memref<!tpu.dma_semaphore, #tpu.memory_space<semaphore_mem>>, %arg17: memref<!tpu.dma_semaphore, #tpu.memory_space<semaphore_mem>>) attributes {dimension_semantics = [#tpu.dimension_semantics<core_parallel>, #tpu.dimension_semantics<subcore_parallel>], iteration_bounds = array<i64: 2, 16>, scalar_prefetch = 0 : i64, scratch_operands = 11 : i64, tpu.core_type = #tpu.core_type<sc_vector_subcore>, window_params = [{transform_indices = #map}, {transform_indices = #map1}, {transform_indices = #map1}, {transform_indices = #map}, {transform_indices = #map2}]} {
    %mul3A = arith.constant -144 : i32
    %mul3A_0 = arith.muli %arg0, %mul3A : i32
    %add3A = arith.constant 152 : i32
    %add3A_1 = arith.addi %add3A, %mul3A_0 : i32
    %mul3A_2 = arith.constant 16 : i32
    %mul3A_3 = arith.muli %arg0, %mul3A_2 : i32
    %mul3A_4 = arith.constant 152 : i32
    %mul3A_5 = arith.muli %mul3A_3, %mul3A_4 : i32
    %mul3A_6 = arith.muli %arg1, %add3A_1 : i32
    %add3A_7 = arith.addi %mul3A_5, %mul3A_6 : i32
    %mul3A_8 = arith.constant 640 : i32
    %mul3A_9 = arith.muli %arg1, %mul3A_8 : i32
    "tpu.region"() ({
      %run_scoped3A = tpu.sem_alloc : memref<!tpu.dma_semaphore, #tpu.memory_space<semaphore_mem>>
      %dma_start3A_53 = arith.constant 0 : i32
      %dma_start3A_54 = tpu.memref_slice %arg13[%mul3A_9, %dma_start3A_53] : memref<10240x128xf32, #tpu.memory_space<vmem_shared>> -> memref<640x128xf32, #tpu.memory_space<vmem_shared>>
      tpu.enqueue_dma source(%arg5 : memref<640x128xf32, #tpu.memory_space<hbm>>) target(%dma_start3A_54 : memref<640x128xf32, #tpu.memory_space<vmem_shared>>) target_semaphore(%run_scoped3A : memref<!tpu.dma_semaphore, #tpu.memory_space<semaphore_mem>>)
      %dma_wait3A_55 = arith.constant 0 : i32
      %dma_wait3A_56 = tpu.memref_slice %arg13[%mul3A_9, %dma_wait3A_55] : memref<10240x128xf32, #tpu.memory_space<vmem_shared>> -> memref<640x128xf32, #tpu.memory_space<vmem_shared>>
      tpu.wait_dma2 semaphore(%run_scoped3A : memref<!tpu.dma_semaphore, #tpu.memory_space<semaphore_mem>>) src(%arg5 : memref<640x128xf32, #tpu.memory_space<hbm>>) dst(%dma_wait3A_56 : memref<640x128xf32, #tpu.memory_space<vmem_shared>>)
      tpu.yield
    }) : () -> ()
    %barrier3A = arith.constant 0 : index
    tpu.barrier barrier_id(%barrier3A)
    %mul3A_10 = arith.constant 128 : i32
    %mul3A_11 = arith.muli %add3A_7, %mul3A_10 : i32
    "tpu.region"() ({
      %run_scoped3A = tpu.sem_alloc : memref<!tpu.dma_semaphore, #tpu.memory_space<semaphore_mem>>
      %dma_start3A_53 = tpu.memref_slice %arg3[%mul3A_11] : memref<327680xi32, #tpu.memory_space<hbm>> -> memref<128xi32, #tpu.memory_space<hbm>>
      %dma_start3A_54 = tpu.memref_slice %arg3[%mul3A_11] : memref<327680xi32, #tpu.memory_space<hbm>> -> memref<128xi32, #tpu.memory_space<hbm>>
      tpu.enqueue_dma source(%dma_start3A_54 : memref<128xi32, #tpu.memory_space<hbm>>) target(%arg7 : memref<128xi32, #tpu.memory_space<vmem>>) target_semaphore(%run_scoped3A : memref<!tpu.dma_semaphore, #tpu.memory_space<semaphore_mem>>)
      %dma_wait3A_55 = tpu.memref_slice %arg3[%mul3A_11] : memref<327680xi32, #tpu.memory_space<hbm>> -> memref<128xi32, #tpu.memory_space<hbm>>
      %dma_wait3A_56 = tpu.memref_slice %arg3[%mul3A_11] : memref<327680xi32, #tpu.memory_space<hbm>> -> memref<128xi32, #tpu.memory_space<hbm>>
      tpu.wait_dma2 semaphore(%run_scoped3A : memref<!tpu.dma_semaphore, #tpu.memory_space<semaphore_mem>>) src(%dma_wait3A_56 : memref<128xi32, #tpu.memory_space<hbm>>) dst(%arg7 : memref<128xi32, #tpu.memory_space<vmem>>)
      tpu.yield
    }) : () -> ()
    %mul3A_12 = arith.constant 128 : i32
    %mul3A_13 = arith.muli %add3A_7, %mul3A_12 : i32
    "tpu.region"() ({
      %run_scoped3A = tpu.sem_alloc : memref<!tpu.dma_semaphore, #tpu.memory_space<semaphore_mem>>
      %dma_start3A_53 = tpu.memref_slice %arg4[%mul3A_13] : memref<327680xi32, #tpu.memory_space<hbm>> -> memref<128xi32, #tpu.memory_space<hbm>>
      %dma_start3A_54 = tpu.memref_slice %arg4[%mul3A_13] : memref<327680xi32, #tpu.memory_space<hbm>> -> memref<128xi32, #tpu.memory_space<hbm>>
      tpu.enqueue_dma source(%dma_start3A_54 : memref<128xi32, #tpu.memory_space<hbm>>) target(%arg9 : memref<128xi32, #tpu.memory_space<vmem>>) target_semaphore(%run_scoped3A : memref<!tpu.dma_semaphore, #tpu.memory_space<semaphore_mem>>)
      %dma_wait3A_55 = tpu.memref_slice %arg4[%mul3A_13] : memref<327680xi32, #tpu.memory_space<hbm>> -> memref<128xi32, #tpu.memory_space<hbm>>
      %dma_wait3A_56 = tpu.memref_slice %arg4[%mul3A_13] : memref<327680xi32, #tpu.memory_space<hbm>> -> memref<128xi32, #tpu.memory_space<hbm>>
      tpu.wait_dma2 semaphore(%run_scoped3A : memref<!tpu.dma_semaphore, #tpu.memory_space<semaphore_mem>>) src(%dma_wait3A_56 : memref<128xi32, #tpu.memory_space<hbm>>) dst(%arg9 : memref<128xi32, #tpu.memory_space<vmem>>)
      tpu.yield
    }) : () -> ()
    %dma_start3A = arith.constant 0 : i32
    %dma_start3A_14 = arith.constant 0 : i32
    %dma_start3A_15 = tpu.memref_slice %arg2[%dma_start3A, %dma_start3A_14] : memref<10240x128xf32, #tpu.memory_space<hbm>> -> memref<10240x128xf32, #tpu.memory_space<hbm>>
    tpu.enqueue_indirect_dma source(%dma_start3A_15 : memref<10240x128xf32, #tpu.memory_space<hbm>>) target(%arg11 : memref<128x128xf32, #tpu.memory_space<vmem>>) offsets(%arg7 : memref<128xi32, #tpu.memory_space<vmem>>) semaphore(%arg14 : memref<!tpu.dma_semaphore, #tpu.memory_space<semaphore_mem>>)
    %jit3A = arith.constant 2 : i32
    %div3A = arith.divsi %add3A_1, %jit3A : i32
    %sign3A = arith.constant 0 : i32
    %sign3A_16 = arith.cmpi sgt, %add3A_1, %sign3A : i32
    %sign3A_17 = arith.extui %sign3A_16 : i1 to i32
    %sign3A_18 = arith.constant 0 : i32
    %sign3A_19 = arith.cmpi slt, %add3A_1, %sign3A_18 : i32
    %sign3A_20 = arith.extui %sign3A_19 : i1 to i32
    %sign3A_21 = arith.subi %sign3A_17, %sign3A_20 : i32
    %sign3A_22 = arith.constant 0 : i32
    %sign3A_23 = arith.cmpi sgt, %jit3A, %sign3A_22 : i32
    %sign3A_24 = arith.extui %sign3A_23 : i1 to i32
    %sign3A_25 = arith.constant 0 : i32
    %sign3A_26 = arith.cmpi slt, %jit3A, %sign3A_25 : i32
    %sign3A_27 = arith.extui %sign3A_26 : i1 to i32
    %sign3A_28 = arith.subi %sign3A_24, %sign3A_27 : i32
    %ne3A = arith.cmpi ne, %sign3A_21, %sign3A_28 : i32
    %rem3A = arith.remsi %add3A_1, %jit3A : i32
    %ne3A_29 = arith.constant 0 : i32
    %ne3A_30 = arith.cmpi ne, %rem3A, %ne3A_29 : i32
    %and3A = arith.andi %ne3A, %ne3A_30 : i1
    %sub3A = arith.constant 1 : i32
    %sub3A_31 = arith.subi %div3A, %sub3A : i32
    %select_n3A = arith.select %and3A, %sub3A_31, %div3A : i32
    %while3A = arith.constant 0 : i32
    %while3A_32 = arith.constant 0 : i32
    %while3A_33 = arith.subi %select_n3A, %while3A : i32
    %while3A_34 = arith.addi %while3A, %while3A_33 : i32
    %while3A_35 = arith.constant 1 : i32
    %while3A_36 = arith.divsi %while3A_33, %while3A_35 : i32
    %while3A_37 = arith.muli %while3A_36, %while3A_35 : i32
    %while3A_38 = arith.addi %while3A, %while3A_37 : i32
    %while3A_39 = arith.constant 1 : i32
    %while3A_40 = scf.for %while3A_53 = %while3A to %while3A_38 step %while3A_39 iter_args(%while3A_54 = %while3A_32) -> (i32)  : i32 {
      %mul3A_55 = arith.constant 2 : i32
      %mul3A_56 = arith.muli %while3A_53, %mul3A_55 : i32
      %add3A_57 = arith.constant 0 : i32
      %add3A_58 = arith.addi %mul3A_56, %add3A_57 : i32
      %add3A_59 = arith.constant 1 : i32
      %add3A_60 = arith.addi %add3A_58, %add3A_59 : i32
      %lt3A = arith.cmpi slt, %add3A_60, %add3A_1 : i32
      %convert_element_type3A = arith.extui %lt3A : i1 to i32
      %cond3A = arith.constant 0 : i32
      %cond3A_61 = arith.cmpi ne, %convert_element_type3A, %cond3A : i32
      scf.if %cond3A_61 {
        %ge3A = arith.constant 2 : i32
        %ge3A_85 = arith.cmpi sge, %add3A_60, %ge3A : i32
        %convert_element_type3A_86 = arith.extui %ge3A_85 : i1 to i32
        %cond3A_87 = arith.constant 0 : i32
        %cond3A_88 = arith.cmpi ne, %convert_element_type3A_86, %cond3A_87 : i32
        scf.if %cond3A_88 {
          %dma_wait3A_95 = arith.constant 0 : i32
          %dma_wait3A_96 = arith.constant 0 : i32
          %dma_wait3A_97 = tpu.memref_slice %arg13[%dma_wait3A_95, %dma_wait3A_96] : memref<10240x128xf32, #tpu.memory_space<vmem_shared>> -> memref<10240x128xf32, #tpu.memory_space<vmem_shared>>
          tpu.wait_indirect_dma semaphore(%arg17 : memref<!tpu.dma_semaphore, #tpu.memory_space<semaphore_mem>>) src(%arg12 : memref<128x128xf32, #tpu.memory_space<vmem>>) dst(%dma_wait3A_97 : memref<10240x128xf32, #tpu.memory_space<vmem_shared>>)
        } else {
        }
        %add3A_89 = arith.addi %add3A_7, %add3A_60 : i32
        %mul3A_90 = arith.constant 128 : i32
        %mul3A_91 = arith.muli %add3A_89, %mul3A_90 : i32
        "tpu.region"() ({
          %run_scoped3A = tpu.sem_alloc : memref<!tpu.dma_semaphore, #tpu.memory_space<semaphore_mem>>
          %dma_start3A_95 = tpu.memref_slice %arg3[%mul3A_91] : memref<327680xi32, #tpu.memory_space<hbm>> -> memref<128xi32, #tpu.memory_space<hbm>>
          %dma_start3A_96 = tpu.memref_slice %arg3[%mul3A_91] : memref<327680xi32, #tpu.memory_space<hbm>> -> memref<128xi32, #tpu.memory_space<hbm>>
          tpu.enqueue_dma source(%dma_start3A_96 : memref<128xi32, #tpu.memory_space<hbm>>) target(%arg8 : memref<128xi32, #tpu.memory_space<vmem>>) target_semaphore(%run_scoped3A : memref<!tpu.dma_semaphore, #tpu.memory_space<semaphore_mem>>)
          %dma_wait3A_97 = tpu.memref_slice %arg3[%mul3A_91] : memref<327680xi32, #tpu.memory_space<hbm>> -> memref<128xi32, #tpu.memory_space<hbm>>
          %dma_wait3A_98 = tpu.memref_slice %arg3[%mul3A_91] : memref<327680xi32, #tpu.memory_space<hbm>> -> memref<128xi32, #tpu.memory_space<hbm>>
          tpu.wait_dma2 semaphore(%run_scoped3A : memref<!tpu.dma_semaphore, #tpu.memory_space<semaphore_mem>>) src(%dma_wait3A_98 : memref<128xi32, #tpu.memory_space<hbm>>) dst(%arg8 : memref<128xi32, #tpu.memory_space<vmem>>)
          tpu.yield
        }) : () -> ()
        "tpu.region"() ({
          %run_scoped3A = tpu.sem_alloc : memref<!tpu.dma_semaphore, #tpu.memory_space<semaphore_mem>>
          %dma_start3A_95 = tpu.memref_slice %arg4[%mul3A_91] : memref<327680xi32, #tpu.memory_space<hbm>> -> memref<128xi32, #tpu.memory_space<hbm>>
          %dma_start3A_96 = tpu.memref_slice %arg4[%mul3A_91] : memref<327680xi32, #tpu.memory_space<hbm>> -> memref<128xi32, #tpu.memory_space<hbm>>
          tpu.enqueue_dma source(%dma_start3A_96 : memref<128xi32, #tpu.memory_space<hbm>>) target(%arg10 : memref<128xi32, #tpu.memory_space<vmem>>) target_semaphore(%run_scoped3A : memref<!tpu.dma_semaphore, #tpu.memory_space<semaphore_mem>>)
          %dma_wait3A_97 = tpu.memref_slice %arg4[%mul3A_91] : memref<327680xi32, #tpu.memory_space<hbm>> -> memref<128xi32, #tpu.memory_space<hbm>>
          %dma_wait3A_98 = tpu.memref_slice %arg4[%mul3A_91] : memref<327680xi32, #tpu.memory_space<hbm>> -> memref<128xi32, #tpu.memory_space<hbm>>
          tpu.wait_dma2 semaphore(%run_scoped3A : memref<!tpu.dma_semaphore, #tpu.memory_space<semaphore_mem>>) src(%dma_wait3A_98 : memref<128xi32, #tpu.memory_space<hbm>>) dst(%arg10 : memref<128xi32, #tpu.memory_space<vmem>>)
          tpu.yield
        }) : () -> ()
        %dma_start3A_92 = arith.constant 0 : i32
        %dma_start3A_93 = arith.constant 0 : i32
        %dma_start3A_94 = tpu.memref_slice %arg2[%dma_start3A_92, %dma_start3A_93] : memref<10240x128xf32, #tpu.memory_space<hbm>> -> memref<10240x128xf32, #tpu.memory_space<hbm>>
        tpu.enqueue_indirect_dma source(%dma_start3A_94 : memref<10240x128xf32, #tpu.memory_space<hbm>>) target(%arg12 : memref<128x128xf32, #tpu.memory_space<vmem>>) offsets(%arg8 : memref<128xi32, #tpu.memory_space<vmem>>) semaphore(%arg15 : memref<!tpu.dma_semaphore, #tpu.memory_space<semaphore_mem>>)
      } else {
      }
      %dma_wait3A_62 = arith.constant 0 : i32
      %dma_wait3A_63 = arith.constant 0 : i32
      %dma_wait3A_64 = tpu.memref_slice %arg2[%dma_wait3A_62, %dma_wait3A_63] : memref<10240x128xf32, #tpu.memory_space<hbm>> -> memref<10240x128xf32, #tpu.memory_space<hbm>>
      tpu.wait_indirect_dma semaphore(%arg14 : memref<!tpu.dma_semaphore, #tpu.memory_space<semaphore_mem>>) src(%dma_wait3A_64 : memref<10240x128xf32, #tpu.memory_space<hbm>>) dst(%arg11 : memref<128x128xf32, #tpu.memory_space<vmem>>)
      %dma_start3A_65 = arith.constant 0 : i32
      %dma_start3A_66 = arith.constant 0 : i32
      %dma_start3A_67 = tpu.memref_slice %arg13[%dma_start3A_65, %dma_start3A_66] : memref<10240x128xf32, #tpu.memory_space<vmem_shared>> -> memref<10240x128xf32, #tpu.memory_space<vmem_shared>>
      tpu.enqueue_indirect_dma source(%arg11 : memref<128x128xf32, #tpu.memory_space<vmem>>) target(%dma_start3A_67 : memref<10240x128xf32, #tpu.memory_space<vmem_shared>>) offsets(%arg9 : memref<128xi32, #tpu.memory_space<vmem>>) semaphore(%arg16 : memref<!tpu.dma_semaphore, #tpu.memory_space<semaphore_mem>>) {add = true}
      %mul3A_68 = arith.constant 2 : i32
      %mul3A_69 = arith.muli %while3A_53, %mul3A_68 : i32
      %add3A_70 = arith.constant 1 : i32
      %add3A_71 = arith.addi %mul3A_69, %add3A_70 : i32
      %add3A_72 = arith.constant 1 : i32
      %add3A_73 = arith.addi %add3A_71, %add3A_72 : i32
      %lt3A_74 = arith.cmpi slt, %add3A_73, %add3A_1 : i32
      %convert_element_type3A_75 = arith.extui %lt3A_74 : i1 to i32
      %cond3A_76 = arith.constant 0 : i32
      %cond3A_77 = arith.cmpi ne, %convert_element_type3A_75, %cond3A_76 : i32
      scf.if %cond3A_77 {
        %ge3A = arith.constant 2 : i32
        %ge3A_85 = arith.cmpi sge, %add3A_73, %ge3A : i32
        %convert_element_type3A_86 = arith.extui %ge3A_85 : i1 to i32
        %cond3A_87 = arith.constant 0 : i32
        %cond3A_88 = arith.cmpi ne, %convert_element_type3A_86, %cond3A_87 : i32
        scf.if %cond3A_88 {
          %dma_wait3A_95 = arith.constant 0 : i32
          %dma_wait3A_96 = arith.constant 0 : i32
          %dma_wait3A_97 = tpu.memref_slice %arg13[%dma_wait3A_95, %dma_wait3A_96] : memref<10240x128xf32, #tpu.memory_space<vmem_shared>> -> memref<10240x128xf32, #tpu.memory_space<vmem_shared>>
          tpu.wait_indirect_dma semaphore(%arg16 : memref<!tpu.dma_semaphore, #tpu.memory_space<semaphore_mem>>) src(%arg11 : memref<128x128xf32, #tpu.memory_space<vmem>>) dst(%dma_wait3A_97 : memref<10240x128xf32, #tpu.memory_space<vmem_shared>>)
        } else {
        }
        %add3A_89 = arith.addi %add3A_7, %add3A_73 : i32
        %mul3A_90 = arith.constant 128 : i32
        %mul3A_91 = arith.muli %add3A_89, %mul3A_90 : i32
        "tpu.region"() ({
          %run_scoped3A = tpu.sem_alloc : memref<!tpu.dma_semaphore, #tpu.memory_space<semaphore_mem>>
          %dma_start3A_95 = tpu.memref_slice %arg3[%mul3A_91] : memref<327680xi32, #tpu.memory_space<hbm>> -> memref<128xi32, #tpu.memory_space<hbm>>
          %dma_start3A_96 = tpu.memref_slice %arg3[%mul3A_91] : memref<327680xi32, #tpu.memory_space<hbm>> -> memref<128xi32, #tpu.memory_space<hbm>>
          tpu.enqueue_dma source(%dma_start3A_96 : memref<128xi32, #tpu.memory_space<hbm>>) target(%arg7 : memref<128xi32, #tpu.memory_space<vmem>>) target_semaphore(%run_scoped3A : memref<!tpu.dma_semaphore, #tpu.memory_space<semaphore_mem>>)
          %dma_wait3A_97 = tpu.memref_slice %arg3[%mul3A_91] : memref<327680xi32, #tpu.memory_space<hbm>> -> memref<128xi32, #tpu.memory_space<hbm>>
          %dma_wait3A_98 = tpu.memref_slice %arg3[%mul3A_91] : memref<327680xi32, #tpu.memory_space<hbm>> -> memref<128xi32, #tpu.memory_space<hbm>>
          tpu.wait_dma2 semaphore(%run_scoped3A : memref<!tpu.dma_semaphore, #tpu.memory_space<semaphore_mem>>) src(%dma_wait3A_98 : memref<128xi32, #tpu.memory_space<hbm>>) dst(%arg7 : memref<128xi32, #tpu.memory_space<vmem>>)
          tpu.yield
        }) : () -> ()
        "tpu.region"() ({
          %run_scoped3A = tpu.sem_alloc : memref<!tpu.dma_semaphore, #tpu.memory_space<semaphore_mem>>
          %dma_start3A_95 = tpu.memref_slice %arg4[%mul3A_91] : memref<327680xi32, #tpu.memory_space<hbm>> -> memref<128xi32, #tpu.memory_space<hbm>>
          %dma_start3A_96 = tpu.memref_slice %arg4[%mul3A_91] : memref<327680xi32, #tpu.memory_space<hbm>> -> memref<128xi32, #tpu.memory_space<hbm>>
          tpu.enqueue_dma source(%dma_start3A_96 : memref<128xi32, #tpu.memory_space<hbm>>) target(%arg9 : memref<128xi32, #tpu.memory_space<vmem>>) target_semaphore(%run_scoped3A : memref<!tpu.dma_semaphore, #tpu.memory_space<semaphore_mem>>)
          %dma_wait3A_97 = tpu.memref_slice %arg4[%mul3A_91] : memref<327680xi32, #tpu.memory_space<hbm>> -> memref<128xi32, #tpu.memory_space<hbm>>
          %dma_wait3A_98 = tpu.memref_slice %arg4[%mul3A_91] : memref<327680xi32, #tpu.memory_space<hbm>> -> memref<128xi32, #tpu.memory_space<hbm>>
          tpu.wait_dma2 semaphore(%run_scoped3A : memref<!tpu.dma_semaphore, #tpu.memory_space<semaphore_mem>>) src(%dma_wait3A_98 : memref<128xi32, #tpu.memory_space<hbm>>) dst(%arg9 : memref<128xi32, #tpu.memory_space<vmem>>)
          tpu.yield
        }) : () -> ()
        %dma_start3A_92 = arith.constant 0 : i32
        %dma_start3A_93 = arith.constant 0 : i32
        %dma_start3A_94 = tpu.memref_slice %arg2[%dma_start3A_92, %dma_start3A_93] : memref<10240x128xf32, #tpu.memory_space<hbm>> -> memref<10240x128xf32, #tpu.memory_space<hbm>>
        tpu.enqueue_indirect_dma source(%dma_start3A_94 : memref<10240x128xf32, #tpu.memory_space<hbm>>) target(%arg11 : memref<128x128xf32, #tpu.memory_space<vmem>>) offsets(%arg7 : memref<128xi32, #tpu.memory_space<vmem>>) semaphore(%arg14 : memref<!tpu.dma_semaphore, #tpu.memory_space<semaphore_mem>>)
      } else {
      }
      %dma_wait3A_78 = arith.constant 0 : i32
      %dma_wait3A_79 = arith.constant 0 : i32
      %dma_wait3A_80 = tpu.memref_slice %arg2[%dma_wait3A_78, %dma_wait3A_79] : memref<10240x128xf32, #tpu.memory_space<hbm>> -> memref<10240x128xf32, #tpu.memory_space<hbm>>
      tpu.wait_indirect_dma semaphore(%arg15 : memref<!tpu.dma_semaphore, #tpu.memory_space<semaphore_mem>>) src(%dma_wait3A_80 : memref<10240x128xf32, #tpu.memory_space<hbm>>) dst(%arg12 : memref<128x128xf32, #tpu.memory_space<vmem>>)
      %dma_start3A_81 = arith.constant 0 : i32
      %dma_start3A_82 = arith.constant 0 : i32
      %dma_start3A_83 = tpu.memref_slice %arg13[%dma_start3A_81, %dma_start3A_82] : memref<10240x128xf32, #tpu.memory_space<vmem_shared>> -> memref<10240x128xf32, #tpu.memory_space<vmem_shared>>
      tpu.enqueue_indirect_dma source(%arg12 : memref<128x128xf32, #tpu.memory_space<vmem>>) target(%dma_start3A_83 : memref<10240x128xf32, #tpu.memory_space<vmem_shared>>) offsets(%arg10 : memref<128xi32, #tpu.memory_space<vmem>>) semaphore(%arg17 : memref<!tpu.dma_semaphore, #tpu.memory_space<semaphore_mem>>) {add = true}
      %while3A_84 = arith.constant 0 : i32
      scf.yield %while3A_84 : i32
    }
    %while3A_41 = arith.constant 1 : i32
    %while3A_42 = scf.for %while3A_53 = %while3A_38 to %while3A_34 step %while3A_41 iter_args(%while3A_54 = %while3A_40) -> (i32)  : i32 {
      %mul3A_55 = arith.constant 2 : i32
      %mul3A_56 = arith.muli %while3A_53, %mul3A_55 : i32
      %add3A_57 = arith.constant 0 : i32
      %add3A_58 = arith.addi %mul3A_56, %add3A_57 : i32
      %add3A_59 = arith.constant 1 : i32
      %add3A_60 = arith.addi %add3A_58, %add3A_59 : i32
      %lt3A = arith.cmpi slt, %add3A_60, %add3A_1 : i32
      %convert_element_type3A = arith.extui %lt3A : i1 to i32
      %cond3A = arith.constant 0 : i32
      %cond3A_61 = arith.cmpi ne, %convert_element_type3A, %cond3A : i32
      scf.if %cond3A_61 {
        %ge3A = arith.constant 2 : i32
        %ge3A_85 = arith.cmpi sge, %add3A_60, %ge3A : i32
        %convert_element_type3A_86 = arith.extui %ge3A_85 : i1 to i32
        %cond3A_87 = arith.constant 0 : i32
        %cond3A_88 = arith.cmpi ne, %convert_element_type3A_86, %cond3A_87 : i32
        scf.if %cond3A_88 {
          %dma_wait3A_95 = arith.constant 0 : i32
          %dma_wait3A_96 = arith.constant 0 : i32
          %dma_wait3A_97 = tpu.memref_slice %arg13[%dma_wait3A_95, %dma_wait3A_96] : memref<10240x128xf32, #tpu.memory_space<vmem_shared>> -> memref<10240x128xf32, #tpu.memory_space<vmem_shared>>
          tpu.wait_indirect_dma semaphore(%arg17 : memref<!tpu.dma_semaphore, #tpu.memory_space<semaphore_mem>>) src(%arg12 : memref<128x128xf32, #tpu.memory_space<vmem>>) dst(%dma_wait3A_97 : memref<10240x128xf32, #tpu.memory_space<vmem_shared>>)
        } else {
        }
        %add3A_89 = arith.addi %add3A_7, %add3A_60 : i32
        %mul3A_90 = arith.constant 128 : i32
        %mul3A_91 = arith.muli %add3A_89, %mul3A_90 : i32
        "tpu.region"() ({
          %run_scoped3A = tpu.sem_alloc : memref<!tpu.dma_semaphore, #tpu.memory_space<semaphore_mem>>
          %dma_start3A_95 = tpu.memref_slice %arg3[%mul3A_91] : memref<327680xi32, #tpu.memory_space<hbm>> -> memref<128xi32, #tpu.memory_space<hbm>>
          %dma_start3A_96 = tpu.memref_slice %arg3[%mul3A_91] : memref<327680xi32, #tpu.memory_space<hbm>> -> memref<128xi32, #tpu.memory_space<hbm>>
          tpu.enqueue_dma source(%dma_start3A_96 : memref<128xi32, #tpu.memory_space<hbm>>) target(%arg8 : memref<128xi32, #tpu.memory_space<vmem>>) target_semaphore(%run_scoped3A : memref<!tpu.dma_semaphore, #tpu.memory_space<semaphore_mem>>)
          %dma_wait3A_97 = tpu.memref_slice %arg3[%mul3A_91] : memref<327680xi32, #tpu.memory_space<hbm>> -> memref<128xi32, #tpu.memory_space<hbm>>
          %dma_wait3A_98 = tpu.memref_slice %arg3[%mul3A_91] : memref<327680xi32, #tpu.memory_space<hbm>> -> memref<128xi32, #tpu.memory_space<hbm>>
          tpu.wait_dma2 semaphore(%run_scoped3A : memref<!tpu.dma_semaphore, #tpu.memory_space<semaphore_mem>>) src(%dma_wait3A_98 : memref<128xi32, #tpu.memory_space<hbm>>) dst(%arg8 : memref<128xi32, #tpu.memory_space<vmem>>)
          tpu.yield
        }) : () -> ()
        "tpu.region"() ({
          %run_scoped3A = tpu.sem_alloc : memref<!tpu.dma_semaphore, #tpu.memory_space<semaphore_mem>>
          %dma_start3A_95 = tpu.memref_slice %arg4[%mul3A_91] : memref<327680xi32, #tpu.memory_space<hbm>> -> memref<128xi32, #tpu.memory_space<hbm>>
          %dma_start3A_96 = tpu.memref_slice %arg4[%mul3A_91] : memref<327680xi32, #tpu.memory_space<hbm>> -> memref<128xi32, #tpu.memory_space<hbm>>
          tpu.enqueue_dma source(%dma_start3A_96 : memref<128xi32, #tpu.memory_space<hbm>>) target(%arg10 : memref<128xi32, #tpu.memory_space<vmem>>) target_semaphore(%run_scoped3A : memref<!tpu.dma_semaphore, #tpu.memory_space<semaphore_mem>>)
          %dma_wait3A_97 = tpu.memref_slice %arg4[%mul3A_91] : memref<327680xi32, #tpu.memory_space<hbm>> -> memref<128xi32, #tpu.memory_space<hbm>>
          %dma_wait3A_98 = tpu.memref_slice %arg4[%mul3A_91] : memref<327680xi32, #tpu.memory_space<hbm>> -> memref<128xi32, #tpu.memory_space<hbm>>
          tpu.wait_dma2 semaphore(%run_scoped3A : memref<!tpu.dma_semaphore, #tpu.memory_space<semaphore_mem>>) src(%dma_wait3A_98 : memref<128xi32, #tpu.memory_space<hbm>>) dst(%arg10 : memref<128xi32, #tpu.memory_space<vmem>>)
          tpu.yield
        }) : () -> ()
        %dma_start3A_92 = arith.constant 0 : i32
        %dma_start3A_93 = arith.constant 0 : i32
        %dma_start3A_94 = tpu.memref_slice %arg2[%dma_start3A_92, %dma_start3A_93] : memref<10240x128xf32, #tpu.memory_space<hbm>> -> memref<10240x128xf32, #tpu.memory_space<hbm>>
        tpu.enqueue_indirect_dma source(%dma_start3A_94 : memref<10240x128xf32, #tpu.memory_space<hbm>>) target(%arg12 : memref<128x128xf32, #tpu.memory_space<vmem>>) offsets(%arg8 : memref<128xi32, #tpu.memory_space<vmem>>) semaphore(%arg15 : memref<!tpu.dma_semaphore, #tpu.memory_space<semaphore_mem>>)
      } else {
      }
      %dma_wait3A_62 = arith.constant 0 : i32
      %dma_wait3A_63 = arith.constant 0 : i32
      %dma_wait3A_64 = tpu.memref_slice %arg2[%dma_wait3A_62, %dma_wait3A_63] : memref<10240x128xf32, #tpu.memory_space<hbm>> -> memref<10240x128xf32, #tpu.memory_space<hbm>>
      tpu.wait_indirect_dma semaphore(%arg14 : memref<!tpu.dma_semaphore, #tpu.memory_space<semaphore_mem>>) src(%dma_wait3A_64 : memref<10240x128xf32, #tpu.memory_space<hbm>>) dst(%arg11 : memref<128x128xf32, #tpu.memory_space<vmem>>)
      %dma_start3A_65 = arith.constant 0 : i32
      %dma_start3A_66 = arith.constant 0 : i32
      %dma_start3A_67 = tpu.memref_slice %arg13[%dma_start3A_65, %dma_start3A_66] : memref<10240x128xf32, #tpu.memory_space<vmem_shared>> -> memref<10240x128xf32, #tpu.memory_space<vmem_shared>>
      tpu.enqueue_indirect_dma source(%arg11 : memref<128x128xf32, #tpu.memory_space<vmem>>) target(%dma_start3A_67 : memref<10240x128xf32, #tpu.memory_space<vmem_shared>>) offsets(%arg9 : memref<128xi32, #tpu.memory_space<vmem>>) semaphore(%arg16 : memref<!tpu.dma_semaphore, #tpu.memory_space<semaphore_mem>>) {add = true}
      %mul3A_68 = arith.constant 2 : i32
      %mul3A_69 = arith.muli %while3A_53, %mul3A_68 : i32
      %add3A_70 = arith.constant 1 : i32
      %add3A_71 = arith.addi %mul3A_69, %add3A_70 : i32
      %add3A_72 = arith.constant 1 : i32
      %add3A_73 = arith.addi %add3A_71, %add3A_72 : i32
      %lt3A_74 = arith.cmpi slt, %add3A_73, %add3A_1 : i32
      %convert_element_type3A_75 = arith.extui %lt3A_74 : i1 to i32
      %cond3A_76 = arith.constant 0 : i32
      %cond3A_77 = arith.cmpi ne, %convert_element_type3A_75, %cond3A_76 : i32
      scf.if %cond3A_77 {
        %ge3A = arith.constant 2 : i32
        %ge3A_85 = arith.cmpi sge, %add3A_73, %ge3A : i32
        %convert_element_type3A_86 = arith.extui %ge3A_85 : i1 to i32
        %cond3A_87 = arith.constant 0 : i32
        %cond3A_88 = arith.cmpi ne, %convert_element_type3A_86, %cond3A_87 : i32
        scf.if %cond3A_88 {
          %dma_wait3A_95 = arith.constant 0 : i32
          %dma_wait3A_96 = arith.constant 0 : i32
          %dma_wait3A_97 = tpu.memref_slice %arg13[%dma_wait3A_95, %dma_wait3A_96] : memref<10240x128xf32, #tpu.memory_space<vmem_shared>> -> memref<10240x128xf32, #tpu.memory_space<vmem_shared>>
          tpu.wait_indirect_dma semaphore(%arg16 : memref<!tpu.dma_semaphore, #tpu.memory_space<semaphore_mem>>) src(%arg11 : memref<128x128xf32, #tpu.memory_space<vmem>>) dst(%dma_wait3A_97 : memref<10240x128xf32, #tpu.memory_space<vmem_shared>>)
        } else {
        }
        %add3A_89 = arith.addi %add3A_7, %add3A_73 : i32
        %mul3A_90 = arith.constant 128 : i32
        %mul3A_91 = arith.muli %add3A_89, %mul3A_90 : i32
        "tpu.region"() ({
          %run_scoped3A = tpu.sem_alloc : memref<!tpu.dma_semaphore, #tpu.memory_space<semaphore_mem>>
          %dma_start3A_95 = tpu.memref_slice %arg3[%mul3A_91] : memref<327680xi32, #tpu.memory_space<hbm>> -> memref<128xi32, #tpu.memory_space<hbm>>
          %dma_start3A_96 = tpu.memref_slice %arg3[%mul3A_91] : memref<327680xi32, #tpu.memory_space<hbm>> -> memref<128xi32, #tpu.memory_space<hbm>>
          tpu.enqueue_dma source(%dma_start3A_96 : memref<128xi32, #tpu.memory_space<hbm>>) target(%arg7 : memref<128xi32, #tpu.memory_space<vmem>>) target_semaphore(%run_scoped3A : memref<!tpu.dma_semaphore, #tpu.memory_space<semaphore_mem>>)
          %dma_wait3A_97 = tpu.memref_slice %arg3[%mul3A_91] : memref<327680xi32, #tpu.memory_space<hbm>> -> memref<128xi32, #tpu.memory_space<hbm>>
          %dma_wait3A_98 = tpu.memref_slice %arg3[%mul3A_91] : memref<327680xi32, #tpu.memory_space<hbm>> -> memref<128xi32, #tpu.memory_space<hbm>>
          tpu.wait_dma2 semaphore(%run_scoped3A : memref<!tpu.dma_semaphore, #tpu.memory_space<semaphore_mem>>) src(%dma_wait3A_98 : memref<128xi32, #tpu.memory_space<hbm>>) dst(%arg7 : memref<128xi32, #tpu.memory_space<vmem>>)
          tpu.yield
        }) : () -> ()
        "tpu.region"() ({
          %run_scoped3A = tpu.sem_alloc : memref<!tpu.dma_semaphore, #tpu.memory_space<semaphore_mem>>
          %dma_start3A_95 = tpu.memref_slice %arg4[%mul3A_91] : memref<327680xi32, #tpu.memory_space<hbm>> -> memref<128xi32, #tpu.memory_space<hbm>>
          %dma_start3A_96 = tpu.memref_slice %arg4[%mul3A_91] : memref<327680xi32, #tpu.memory_space<hbm>> -> memref<128xi32, #tpu.memory_space<hbm>>
          tpu.enqueue_dma source(%dma_start3A_96 : memref<128xi32, #tpu.memory_space<hbm>>) target(%arg9 : memref<128xi32, #tpu.memory_space<vmem>>) target_semaphore(%run_scoped3A : memref<!tpu.dma_semaphore, #tpu.memory_space<semaphore_mem>>)
          %dma_wait3A_97 = tpu.memref_slice %arg4[%mul3A_91] : memref<327680xi32, #tpu.memory_space<hbm>> -> memref<128xi32, #tpu.memory_space<hbm>>
          %dma_wait3A_98 = tpu.memref_slice %arg4[%mul3A_91] : memref<327680xi32, #tpu.memory_space<hbm>> -> memref<128xi32, #tpu.memory_space<hbm>>
          tpu.wait_dma2 semaphore(%run_scoped3A : memref<!tpu.dma_semaphore, #tpu.memory_space<semaphore_mem>>) src(%dma_wait3A_98 : memref<128xi32, #tpu.memory_space<hbm>>) dst(%arg9 : memref<128xi32, #tpu.memory_space<vmem>>)
          tpu.yield
        }) : () -> ()
        %dma_start3A_92 = arith.constant 0 : i32
        %dma_start3A_93 = arith.constant 0 : i32
        %dma_start3A_94 = tpu.memref_slice %arg2[%dma_start3A_92, %dma_start3A_93] : memref<10240x128xf32, #tpu.memory_space<hbm>> -> memref<10240x128xf32, #tpu.memory_space<hbm>>
        tpu.enqueue_indirect_dma source(%dma_start3A_94 : memref<10240x128xf32, #tpu.memory_space<hbm>>) target(%arg11 : memref<128x128xf32, #tpu.memory_space<vmem>>) offsets(%arg7 : memref<128xi32, #tpu.memory_space<vmem>>) semaphore(%arg14 : memref<!tpu.dma_semaphore, #tpu.memory_space<semaphore_mem>>)
      } else {
      }
      %dma_wait3A_78 = arith.constant 0 : i32
      %dma_wait3A_79 = arith.constant 0 : i32
      %dma_wait3A_80 = tpu.memref_slice %arg2[%dma_wait3A_78, %dma_wait3A_79] : memref<10240x128xf32, #tpu.memory_space<hbm>> -> memref<10240x128xf32, #tpu.memory_space<hbm>>
      tpu.wait_indirect_dma semaphore(%arg15 : memref<!tpu.dma_semaphore, #tpu.memory_space<semaphore_mem>>) src(%dma_wait3A_80 : memref<10240x128xf32, #tpu.memory_space<hbm>>) dst(%arg12 : memref<128x128xf32, #tpu.memory_space<vmem>>)
      %dma_start3A_81 = arith.constant 0 : i32
      %dma_start3A_82 = arith.constant 0 : i32
      %dma_start3A_83 = tpu.memref_slice %arg13[%dma_start3A_81, %dma_start3A_82] : memref<10240x128xf32, #tpu.memory_space<vmem_shared>> -> memref<10240x128xf32, #tpu.memory_space<vmem_shared>>
      tpu.enqueue_indirect_dma source(%arg12 : memref<128x128xf32, #tpu.memory_space<vmem>>) target(%dma_start3A_83 : memref<10240x128xf32, #tpu.memory_space<vmem_shared>>) offsets(%arg10 : memref<128xi32, #tpu.memory_space<vmem>>) semaphore(%arg17 : memref<!tpu.dma_semaphore, #tpu.memory_space<semaphore_mem>>) {add = true}
      %while3A_84 = arith.constant 0 : i32
      scf.yield %while3A_84 : i32
    }
    %dma_wait3A = arith.constant 0 : i32
    %dma_wait3A_43 = arith.constant 0 : i32
    %dma_wait3A_44 = tpu.memref_slice %arg13[%dma_wait3A, %dma_wait3A_43] : memref<10240x128xf32, #tpu.memory_space<vmem_shared>> -> memref<10240x128xf32, #tpu.memory_space<vmem_shared>>
    tpu.wait_indirect_dma semaphore(%arg16 : memref<!tpu.dma_semaphore, #tpu.memory_space<semaphore_mem>>) src(%arg11 : memref<128x128xf32, #tpu.memory_space<vmem>>) dst(%dma_wait3A_44 : memref<10240x128xf32, #tpu.memory_space<vmem_shared>>)
    %dma_wait3A_45 = arith.constant 0 : i32
    %dma_wait3A_46 = arith.constant 0 : i32
    %dma_wait3A_47 = tpu.memref_slice %arg13[%dma_wait3A_45, %dma_wait3A_46] : memref<10240x128xf32, #tpu.memory_space<vmem_shared>> -> memref<10240x128xf32, #tpu.memory_space<vmem_shared>>
    tpu.wait_indirect_dma semaphore(%arg17 : memref<!tpu.dma_semaphore, #tpu.memory_space<semaphore_mem>>) src(%arg12 : memref<128x128xf32, #tpu.memory_space<vmem>>) dst(%dma_wait3A_47 : memref<10240x128xf32, #tpu.memory_space<vmem_shared>>)
    %barrier3A_48 = arith.constant 0 : index
    tpu.barrier barrier_id(%barrier3A_48)
    %mul3A_49 = arith.constant 640 : i32
    %mul3A_50 = arith.muli %arg1, %mul3A_49 : i32
    %mul3A_51 = arith.constant 640 : i32
    %mul3A_52 = arith.muli %arg1, %mul3A_51 : i32
    "tpu.region"() ({
      %run_scoped3A = tpu.sem_alloc : memref<!tpu.dma_semaphore, #tpu.memory_space<semaphore_mem>>
      %dma_start3A_53 = arith.constant 0 : i32
      %dma_start3A_54 = tpu.memref_slice %arg6[%arg0, %mul3A_52, %dma_start3A_53] : memref<2x10240x128xf32, #tpu.memory_space<hbm>> -> memref<1x640x128xf32, #tpu.memory_space<hbm>>
      %dma_start3A_55 = tpu.memref_squeeze %dma_start3A_54 : memref<1x640x128xf32, #tpu.memory_space<hbm>> -> memref<640x128xf32, #tpu.memory_space<hbm>>
      %dma_start3A_56 = arith.constant 0 : i32
      %dma_start3A_57 = tpu.memref_slice %arg13[%mul3A_50, %dma_start3A_56] : memref<10240x128xf32, #tpu.memory_space<vmem_shared>> -> memref<640x128xf32, #tpu.memory_space<vmem_shared>>
      tpu.enqueue_dma source(%dma_start3A_57 : memref<640x128xf32, #tpu.memory_space<vmem_shared>>) target(%dma_start3A_55 : memref<640x128xf32, #tpu.memory_space<hbm>>) target_semaphore(%run_scoped3A : memref<!tpu.dma_semaphore, #tpu.memory_space<semaphore_mem>>)
      %dma_wait3A_58 = arith.constant 0 : i32
      %dma_wait3A_59 = tpu.memref_slice %arg6[%arg0, %mul3A_52, %dma_wait3A_58] : memref<2x10240x128xf32, #tpu.memory_space<hbm>> -> memref<1x640x128xf32, #tpu.memory_space<hbm>>
      %dma_wait3A_60 = tpu.memref_squeeze %dma_wait3A_59 : memref<1x640x128xf32, #tpu.memory_space<hbm>> -> memref<640x128xf32, #tpu.memory_space<hbm>>
      %dma_wait3A_61 = arith.constant 0 : i32
      %dma_wait3A_62 = tpu.memref_slice %arg13[%mul3A_50, %dma_wait3A_61] : memref<10240x128xf32, #tpu.memory_space<vmem_shared>> -> memref<640x128xf32, #tpu.memory_space<vmem_shared>>
      tpu.wait_dma2 semaphore(%run_scoped3A : memref<!tpu.dma_semaphore, #tpu.memory_space<semaphore_mem>>) src(%dma_wait3A_62 : memref<640x128xf32, #tpu.memory_space<vmem_shared>>) dst(%dma_wait3A_60 : memref<640x128xf32, #tpu.memory_space<hbm>>)
      tpu.yield
    }) : () -> ()
    return
  }
}

module attributes {stable_mosaic.version = 14 : i64} {
  func.func @_h_body(%arg0: i32, %arg1: memref<512x128xf32, #tpu.memory_space<vmem>>, %arg2: memref<512x2xf32, #tpu.memory_space<vmem>>, %arg3: memref<512x128xf32, #tpu.memory_space<vmem>>) attributes {dimension_semantics = [#tpu.dimension_semantics<arbitrary>], iteration_bounds = array<i64: 20>, scalar_prefetch = 0 : i64, scratch_operands = 0 : i64, tpu.core_type = #tpu.core_type<tc>, window_params = [{transform_indices = @transform_0, window_bounds = array<i64: 512, 128>}, {transform_indices = @transform_1, window_bounds = array<i64: 512, 2>}, {transform_indices = @transform_2, window_bounds = array<i64: 512, 128>}]} {
    %get3A = arith.constant 0 : index
    %get3A_0 = arith.constant 0 : index
    %get3A_1 = vector.load %arg2[%get3A, %get3A_0] : memref<512x2xf32, #tpu.memory_space<vmem>>, vector<512x1xf32>
    %get3A_2 = vector.shape_cast %get3A_1 : vector<512x1xf32> to vector<512xf32>
    %get3A_3 = arith.constant 0 : index
    %get3A_4 = arith.constant 1 : index
    %get3A_5 = vector.load %arg2[%get3A_3, %get3A_4] : memref<512x2xf32, #tpu.memory_space<vmem>>, vector<512x1xf32>
    %get3A_6 = vector.shape_cast %get3A_5 : vector<512x1xf32> to vector<512xf32>
    %add3A = arith.addf %get3A_2, %get3A_6 : vector<512xf32>
    %max3A = arith.constant 1.000000e+00 : f32
    %max3A_7 = vector.broadcast %max3A : f32 to vector<512xf32>
    %max3A_8 = arith.maximumf %add3A, %max3A_7 : vector<512xf32>
    %rsqrt3A = math.rsqrt %max3A_8 : vector<512xf32>
    %get3A_9 = arith.constant 0 : index
    %get3A_10 = arith.constant 0 : index
    %get3A_11 = vector.load %arg1[%get3A_9, %get3A_10] : memref<512x128xf32, #tpu.memory_space<vmem>>, vector<512x128xf32>
    %broadcast_in_dim3A = vector.shape_cast %rsqrt3A : vector<512xf32> to vector<512x1xf32>
    %mul3A = vector.broadcast %broadcast_in_dim3A : vector<512x1xf32> to vector<512x128xf32>
    %mul3A_12 = arith.mulf %get3A_11, %mul3A : vector<512x128xf32>
    %swap3A = arith.constant 0 : index
    %swap3A_13 = arith.constant 0 : index
    %swap3A_14 = vector.load %arg3[%swap3A, %swap3A_13] : memref<512x128xf32, #tpu.memory_space<vmem>>, vector<512x128xf32>
    tpu.vector_store %arg3[%swap3A, %swap3A_13], %mul3A_12 {strides = array<i32>} : memref<512x128xf32, #tpu.memory_space<vmem>>, vector<512x128xf32>,
    return
  }
  func.func @transform_0(%arg0: i32) -> (i32, i32) {
    %c0_i32 = arith.constant 0 : i32
    %c0_i32_0 = arith.constant 0 : i32
    return %arg0, %c0_i32 : i32, i32
  }
  func.func @transform_1(%arg0: i32) -> (i32, i32) {
    %c0_i32 = arith.constant 0 : i32
    %c0_i32_0 = arith.constant 0 : i32
    return %arg0, %c0_i32 : i32, i32
  }
  func.func @transform_2(%arg0: i32) -> (i32, i32) {
    %c0_i32 = arith.constant 0 : i32
    %c0_i32_0 = arith.constant 0 : i32
    return %arg0, %c0_i32 : i32, i32
  }
}

module attributes {stable_mosaic.version = 14 : i64} {
  func.func @_final_body(%arg0: i32, %arg1: memref<400x128xf32, #tpu.memory_space<vmem>>, %arg2: memref<2x400x128xf32, #tpu.memory_space<vmem>>, %arg3: memref<400x2xf32, #tpu.memory_space<vmem>>, %arg4: memref<128x128xf32, #tpu.memory_space<vmem>>, %arg5: memref<1x128xf32, #tpu.memory_space<vmem>>, %arg6: memref<400x128xf32, #tpu.memory_space<vmem>>) attributes {dimension_semantics = [#tpu.dimension_semantics<arbitrary>], iteration_bounds = array<i64: 25>, scalar_prefetch = 0 : i64, scratch_operands = 0 : i64, tpu.core_type = #tpu.core_type<tc>, window_params = [{transform_indices = @transform_0, window_bounds = array<i64: 400, 128>}, {transform_indices = @transform_1, window_bounds = array<i64: 2, 400, 128>}, {transform_indices = @transform_2, window_bounds = array<i64: 400, 2>}, {pipeline_mode = #tpu.pipeline_mode<synchronous>, transform_indices = @transform_3, window_bounds = array<i64: 128, 128>}, {pipeline_mode = #tpu.pipeline_mode<synchronous>, transform_indices = @transform_4, window_bounds = array<i64: 1, 128>}, {transform_indices = @transform_5, window_bounds = array<i64: 400, 128>}]} {
    %get3A = arith.constant 0 : index
    %get3A_0 = arith.constant 0 : index
    %get3A_1 = arith.constant 0 : index
    %get3A_2 = vector.load %arg2[%get3A, %get3A_0, %get3A_1] : memref<2x400x128xf32, #tpu.memory_space<vmem>>, vector<1x400x128xf32>
    %get3A_3 = vector.shape_cast %get3A_2 : vector<1x400x128xf32> to vector<400x128xf32>
    %get3A_4 = arith.constant 1 : index
    %get3A_5 = arith.constant 0 : index
    %get3A_6 = arith.constant 0 : index
    %get3A_7 = vector.load %arg2[%get3A_4, %get3A_5, %get3A_6] : memref<2x400x128xf32, #tpu.memory_space<vmem>>, vector<1x400x128xf32>
    %get3A_8 = vector.shape_cast %get3A_7 : vector<1x400x128xf32> to vector<400x128xf32>
    %add3A = arith.addf %get3A_3, %get3A_8 : vector<400x128xf32>
    %get3A_9 = arith.constant 0 : index
    %get3A_10 = arith.constant 0 : index
    %get3A_11 = vector.load %arg3[%get3A_9, %get3A_10] : memref<400x2xf32, #tpu.memory_space<vmem>>, vector<400x1xf32>
    %get3A_12 = vector.shape_cast %get3A_11 : vector<400x1xf32> to vector<400xf32>
    %get3A_13 = arith.constant 0 : index
    %get3A_14 = arith.constant 1 : index
    %get3A_15 = vector.load %arg3[%get3A_13, %get3A_14] : memref<400x2xf32, #tpu.memory_space<vmem>>, vector<400x1xf32>
    %get3A_16 = vector.shape_cast %get3A_15 : vector<400x1xf32> to vector<400xf32>
    %add3A_17 = arith.addf %get3A_12, %get3A_16 : vector<400xf32>
    %max3A = arith.constant 1.000000e+00 : f32
    %max3A_18 = vector.broadcast %max3A : f32 to vector<400xf32>
    %max3A_19 = arith.maximumf %add3A_17, %max3A_18 : vector<400xf32>
    %rsqrt3A = math.rsqrt %max3A_19 : vector<400xf32>
    %broadcast_in_dim3A = vector.shape_cast %rsqrt3A : vector<400xf32> to vector<400x1xf32>
    %mul3A = vector.broadcast %broadcast_in_dim3A : vector<400x1xf32> to vector<400x128xf32>
    %mul3A_20 = arith.mulf %add3A, %mul3A : vector<400x128xf32>
    %get3A_21 = arith.constant 0 : index
    %get3A_22 = arith.constant 0 : index
    %get3A_23 = vector.load %arg4[%get3A_21, %get3A_22] : memref<128x128xf32, #tpu.memory_space<vmem>>, vector<128x128xf32>
    %dot_general3A = arith.constant dense<0.000000e+00> : vector<400x128xf32>
    %dot_general3A_24 = tpu.matmul %mul3A_20, %get3A_23, %dot_general3A {dimension_numbers = #tpu.dot_dimension_numbers<[1], [0], [0], [1], [0, 0, 1, 1], [], []>, transpose_lhs_hint = false} : vector<400x128xf32>, vector<128x128xf32>, vector<400x128xf32> -> vector<400x128xf32>
    %get3A_25 = arith.constant 0 : index
    %get3A_26 = arith.constant 0 : index
    %get3A_27 = vector.load %arg1[%get3A_25, %get3A_26] : memref<400x128xf32, #tpu.memory_space<vmem>>, vector<400x128xf32>
    %add3A_28 = arith.addf %get3A_27, %dot_general3A_24 : vector<400x128xf32>
    %get3A_29 = arith.constant 0 : index
    %get3A_30 = arith.constant 0 : index
    %get3A_31 = vector.load %arg5[%get3A_29, %get3A_30] : memref<1x128xf32, #tpu.memory_space<vmem>>, vector<1x128xf32>
    %add3A_32 = vector.broadcast %get3A_31 : vector<1x128xf32> to vector<400x128xf32>
    %add3A_33 = arith.addf %add3A_28, %add3A_32 : vector<400x128xf32>
    %swap3A = arith.constant 0 : index
    %swap3A_34 = arith.constant 0 : index
    %swap3A_35 = vector.load %arg6[%swap3A, %swap3A_34] : memref<400x128xf32, #tpu.memory_space<vmem>>, vector<400x128xf32>
    tpu.vector_store %arg6[%swap3A, %swap3A_34], %add3A_33 {strides = array<i32>} : memref<400x128xf32, #tpu.memory_space<vmem>>, vector<400x128xf32>,
    return
  }
  func.func @transform_0(%arg0: i32) -> (i32, i32) {
    %c0_i32 = arith.constant 0 : i32
    %c0_i32_0 = arith.constant 0 : i32
    return %arg0, %c0_i32 : i32, i32
  }
  func.func @transform_1(%arg0: i32) -> (i32, i32, i32) {
    %c0_i32 = arith.constant 0 : i32
    %c0_i32_0 = arith.constant 0 : i32
    %c0_i32_1 = arith.constant 0 : i32
    return %c0_i32, %arg0, %c0_i32_0 : i32, i32, i32
  }
  func.func @transform_2(%arg0: i32) -> (i32, i32) {
    %c0_i32 = arith.constant 0 : i32
    %c0_i32_0 = arith.constant 0 : i32
    return %arg0, %c0_i32 : i32, i32
  }
  func.func @transform_3(%arg0: i32) -> (i32, i32) {
    %c0_i32 = arith.constant 0 : i32
    %c0_i32_0 = arith.constant 0 : i32
    %c0_i32_1 = arith.constant 0 : i32
    return %c0_i32, %c0_i32_0 : i32, i32
  }
  func.func @transform_4(%arg0: i32) -> (i32, i32) {
    %c0_i32 = arith.constant 0 : i32
    %c0_i32_0 = arith.constant 0 : i32
    %c0_i32_1 = arith.constant 0 : i32
    return %c0_i32, %c0_i32_0 : i32, i32
  }
  func.func @transform_5(%arg0: i32) -> (i32, i32) {
    %c0_i32 = arith.constant 0 : i32
    %c0_i32_0 = arith.constant 0 : i32
    return %arg0, %c0_i32 : i32, i32
  }
}

</mosaic_0001>

<sc_bundles>
// kernel: kernel.6.cloned.1.call-start
scs
__scs_entry_jumppad:
0x0: {  	(pc) =	sbr.rel $0x88, $3  }
0x1: {  	(tag) =	ssettag $0x0;
	lr =	simm.s32 $0x1  }
0x2: {  	[smem:$0x3F9D] =	sst lr;
	_ =	strace $0xD0000000  }
0x3: {  	_ = 	snop  }
0x4: {  	_ = 	snop  }
0x5: {  	_ = 	snop  }
0x6: {  	_ = 	snop  }
0x7: {  	_ = 	snop  }
__scs_overlays_trampoline_lowered:
0x8: {  	[smem:$0x3FAC] =	sst s0  }
0x9: {  	[smem:$0x3FAD] =	sst s1  }
0xa: {  	[smem:$0x3FAE] =	sst s2  }
0xb: {  	[smem:$0x3FAF] =	sst s3  }
0xc: {  	[smem:$0x3FB0] =	sst s4  }
0xd: {  	[smem:$0x3FB1] =	sst s5  }
0xe: {  	[smem:$0x3FB2] =	sst s6  }
0xf: {  	[smem:$0x3FB3] =	sst s7  }
0x10: {  	[smem:$0x3FB4] =	sst s8  }
0x11: {  	[smem:$0x3FB5] =	sst s9;
	s0 =	simm.s32 @!p0 $0x0  }
0x12: {  	s1 =	sld [smem:$0x3F9B];
	s0 =	simm.s32 @p0 $0x1  }
0x13: {  	[smem:$0x3FB6] =	sst s0;
	s0 =	simm.s32 @!p1 $0x0  }
0x14: {  	s2 =	sld [smem:$0x3F9A];
	s0 =	simm.s32 @p1 $0x1  }
0x15: {  	[smem:$0x3FB7] =	sst s0;
	s0 =	simm.s32 @!p2 $0x0  }
0x16: {  	s3 =	sld [smem:$0x3FDB];
	s0 =	simm.s32 @p2 $0x1  }
0x17: {  	s4 =	simm.s32 $0x1BF5;
	[smem:$0x3FB9] =	sst s0  }
0x18: {  	s0 =	sld [smem:$0x3F9C];
	_ =	swait.ge [sflag:s4], $0x0  }
0x19: {  	s7 =	sld [smem:$0x3F9D]  }
0x1a: {  	s8 =	sadd.s32 $0xFFFFE003, lr  }
0x1b: {  	s9 =	sadd.s32 $0xFFFFFEF7, lr;
	s5 =	simm.s32 $0xFFFFFFFF;
	p2 =	slt.u32 s8, $0xFFFFF086  }
0x1c: {  	p1 =	slt.u32 s9, $0xF7A;
	s5 =	simm.s32 @!p2 $0x0  }
0x1d: {  	s5 =	simm.s32 @p1 $0x1;
	p0 =	seq.s32 s7, s2  }
0x1e: {  	s7 =	smul.u32 @!p0 $0xF7A, s2;
	p2 =	seq.s32 @!p0 s5, $0x0  }
0x1f: {  	s9 =	smul.u32 $0xF7A, s1;
	s8 =	simm.s32 @!p0 $0x1BF5;
	p2 =	por !p2, p0  }
0x20: {  	[sflag:s8] =	ssyncset.s32 @!p0 $0xFFFFF086;
	s6 =	sadd.s32 @!p0 s3, s7;
	s7 =	simm.s32 @!p0 $0x108  }
0x21: {  	s3 =	sadd.s32 s3, s9;
	s6 =	sadd.s32 @!p0 $0x88, s6;
	s7 =	simm.s32 @p2 $0x1082  }
0x22: {  	[simem:s7], [sflag:s8] =	dma.local @!p0 [hbm:s6], $0xF7A  }
0x23: {  	s9 =	sor.u32 $0xD0000000, s2;
	s6 =	simm.s32 $0x108;
	_ =	swait.ge @!p0 [sflag:s8], $0x0  }
0x24: {  	s3 =	sadd.s32 $0x88, s3;
	s6 =	simm.s32 @!p1 $0x1082;
	[sflag:s4] =	ssyncset.s32 $0xFFFFF086  }
0x25: {  	[simem:s6], [sflag:s4] =	dma.local [hbm:s3], $0xF7A  }
0x26: {  	[smem:$0x3F9D] =	sst s1;
	(tag) =	ssettag s2;
	_ =	strace s9  }
0x27: {  	s1 =	sld [smem:$0x3FAD]  }
0x28: {  	s2 =	sld [smem:$0x3FAE]  }
0x29: {  	s4 =	sld [smem:$0x3FB0]  }
0x2a: {  	p0 =	seq.s32 s5, $0x0;
	s5 =	sld [smem:$0x3FB1]  }
0x2b: {  	s6 =	sld [smem:$0x3FB2]  }
0x2c: {  	s7 =	sld [smem:$0x3FB3]  }
0x2d: {  	s3 =	simm.s32 $0x108;
	s8 =	sld [smem:$0x3FB4]  }
0x2e: {  	s3 =	simm.s32 @!p0 $0x1082;
	s9 =	sld [smem:$0x3FB5]  }
0x2f: {  	lr =	sadd.s32 s0, s3;
	s0 =	sld [smem:$0x3FAC]  }
0x30: {  	s3 =	sld [smem:$0x3FAF]  }
0x31: {  	[smem:$0x3FB8] =	sst s10  }
0x32: {  	s10 =	sld [smem:$0x3FB6];
	_ =	sdelay $0x3  }
0x33: {  	p0 =	seq.s32 s10, $0x1;
	s10 =	sld [smem:$0x3FB8];
	_ =	sdelay $0x3  }
0x34: {  	[smem:$0x3FB8] =	sst s10  }
0x35: {  	s10 =	sld [smem:$0x3FB7];
	_ =	sdelay $0x3  }
0x36: {  	p1 =	seq.s32 s10, $0x1;
	s10 =	sld [smem:$0x3FB8];
	_ =	sdelay $0x3  }
0x37: {  	[smem:$0x3FB8] =	sst s10  }
0x38: {  	s10 =	sld [smem:$0x3FB9]  }
0x39: {  	_ = 	snop;
	(pc) =	sbr.ind lr, $3  }
0x3a: {  	_ = 	snop  }
0x3b: {  	_ = 	snop  }
0x3c: {  	p2 =	seq.s32 s10, $0x1;
	s10 =	sld [smem:$0x3FB8]  }
0x3d: {  	_ =	shalt  }
0x3e: {  	_ =	shalt  }
0x3f: {  	_ =	shalt  }
0x40: {  	_ =	shalt  }
0x41: {  	_ =	shalt  }
0x42: {  	_ =	shalt  }
0x43: {  	_ =	shalt  }
0x44: {  	_ =	shalt  }
0x45: {  	_ =	shalt  }
0x46: {  	_ =	shalt  }
0x47: {  	_ =	shalt  }
0x48: {  	_ =	shalt  }
0x49: {  	_ =	shalt  }
0x4a: {  	_ =	shalt  }
0x4b: {  	_ =	shalt  }
0x4c: {  	_ =	shalt  }
0x4d: {  	_ =	shalt  }
0x4e: {  	_ =	shalt  }
0x4f: {  	_ =	shalt  }
0x50: {  	_ =	shalt  }
0x51: {  	_ =	shalt  }
0x52: {  	_ =	shalt  }
0x53: {  	_ =	shalt  }
0x54: {  	_ =	shalt  }
0x55: {  	_ =	shalt  }
0x56: {  	_ =	shalt  }
0x57: {  	_ =	shalt  }
0x58: {  	_ =	shalt  }
0x59: {  	_ =	shalt  }
0x5a: {  	_ =	shalt  }
0x5b: {  	_ =	shalt  }
0x5c: {  	_ =	shalt  }
0x5d: {  	_ =	shalt  }
0x5e: {  	_ =	shalt  }
0x5f: {  	_ =	shalt  }
0x60: {  	_ =	shalt  }
0x61: {  	_ =	shalt  }
0x62: {  	_ =	shalt  }
0x63: {  	_ =	shalt  }
0x64: {  	_ =	shalt  }
0x65: {  	_ =	shalt  }
0x66: {  	_ =	shalt  }
0x67: {  	_ =	shalt  }
0x68: {  	_ =	shalt  }
0x69: {  	_ =	shalt  }
0x6a: {  	_ =	shalt  }
0x6b: {  	_ =	shalt  }
0x6c: {  	_ =	shalt  }
0x6d: {  	_ =	shalt  }
0x6e: {  	_ =	shalt  }
0x6f: {  	_ =	shalt  }
0x70: {  	_ =	shalt  }
0x71: {  	_ =	shalt  }
0x72: {  	_ =	shalt  }
0x73: {  	_ =	shalt  }
0x74: {  	_ =	shalt  }
0x75: {  	_ =	shalt  }
0x76: {  	_ =	shalt  }
0x77: {  	_ =	shalt  }
0x78: {  	_ =	shalt  }
0x79: {  	_ =	shalt  }
0x7a: {  	_ =	shalt  }
0x7b: {  	_ =	shalt  }
0x7c: {  	_ =	shalt  }
0x7d: {  	_ =	shalt  }
0x7e: {  	_ =	shalt  }
0x7f: {  	_ =	shalt  }
0x80: {  	_ =	shalt  }
0x81: {  	_ =	shalt  }
0x82: {  	_ =	shalt  }
0x83: {  	_ =	shalt  }
0x84: {  	_ =	shalt  }
0x85: {  	_ =	shalt  }
0x86: {  	_ =	shalt  }
0x87: {  	_ =	shalt  }
.Lfunc_end0:
.L_simem_size_0:
called_computation_lowered:
.L_overlay_start_0:
0x88: {  	s2 =	sld [smem:$0x3FD9]  }
0x89: {  	s3 =	sld [smem:$0x3FFE];
	_ =	sdelay $0x1  }
0x8a: {  	s1 =	srdreg.scid  }
0x8b: {  	s0 =	sand.u32 $0x1, s1  }
0x8c: {  	s17 =	sshll.u32 s0, $0xA;
	s2 =	sadd.s32 s3, s2  }
0x8d: {  	s2 =	sadd.s32 s2, s17  }
0x8e: {  	[smem:$0x3FC4] =	sst s2  }
0x8f: {  	_ = 	snop  }
0x90: {  	s2 =	sld [smem:$0x3FD0];
	(tm) =	ssettm $0x1  }
0x91: {  	s18 =	sld [smem:$0x3FFB];
	_ =	sdelay $0x3  }
0x92: {  	_ =	strace s18  }
0x93: {  	s3 =	sld [smem:$0x3FFC];
	_ =	sdelay $0x3  }
0x94: {  	_ =	strace s3  }
0x95: {  	s3 =	sld [smem:$0x3FFD];
	_ =	sdelay $0x3  }
0x96: {  	_ =	strace s3  }
0x97: {  	_ =	strace $0x8FFFFFFF  }
0x98: {  	s19 =	sld [smem:$0x3FDB];
	_ =	sdelay $0x1  }
0x99: {  	s4 =	simm.s32 $_scs_section_size  }
0x9a: {  	s5 =	simm.s32 $_size__tile_overlayer_lowered;
	s6 =	simm.s32 $_tile_overlayer_lowered  }
0x9b: {  	s22 =	simm.s32 $0x1BFF;
	s21 =	sshll.u32 s6, $0x1;
	s3 =	sadd.s32 s4, s19  }
0x9c: {  	s7 =	simm.s32 $0x0;
	s20 =	sshll.u32 s5, $0x1;
	s5 =	sadd.s32 s21, s3  }
0x9d: {  	[timem:s7], [sflag:s22] =	dma.local [hbm:s5], s20  }
0x9e: {  	_ =	swait.ge [sflag:s22], s20  }
0x9f: {  	s4 =	ssub.s32 $0x0, s20;
	[sflag:s22] =	ssyncset.done $0x0  }
0xa0: {  	[sflag:s22] =	ssyncadd.s32 s4;
	_ =	sdelay $0x1  }
0xa1: {  	s23 =	simm.s32 $0x1B8B  }
0xa2: {  	_ =	swait.ge [sflag:s23], $0x1  }
0xa3: {  	[sflag:s23] =	ssyncset.done $0x0  }
0xa4: {  	s25 =	simm.s32 $0x1B8E;
	s24 =	sld [smem:$0x3FFE];
	[sflag:s23] =	ssyncadd.s32 $0xFFFFFFFF  }
0xa5: {  	s26 =	simm.s32 $execute0_lowered;
	[smem:$0x3FD2] =	sst s25  }
0xa6: {  	s5 =	sshll.u32 s26, $0x1;
	_ =	strace $0x80000046;
	[dreg:$0x1] =	wrdreg $0xFFFFFFFF  }
0xa7: {  	s28 =	simm.s32 $_size_execute0_lowered;
	s3 =	sadd.s32 s3, s5;
	[dreg:$0x0] =	wrdreg $0x0  }
0xa8: {  	s5 =	sshll.u32 s28, $0x1;
	[dreg:$0x2] =	wrdreg s3  }
0xa9: {  	[dreg:$0x3] =	wrdreg s5  }
0xaa: {  	[dreg:$0x4] =	wrdreg $0xC0  }
0xab: {  	_ =	task [dreg:s7], $0x5FFFF  }
0xac: {  	[dreg:$0x1] =	wrdreg $0xFFFFFFFF  }
0xad: {  	[dreg:$0x0] =	wrdreg $0x60  }
0xae: {  	[dreg:$0x2] =	wrdreg s2  }
0xaf: {  	[dreg:$0x3] =	wrdreg s24  }
0xb0: {  	[dreg:$0x4] =	wrdreg $0x50800  }
0xb1: {  	[dreg:$0x5] =	wrdreg $0x53000  }
0xb2: {  	[dreg:$0x6] =	wrdreg $0x9  }
0xb3: {  	_ =	task.clear_ibuf [dreg:s7], $0x7FFFF;
	_ =	strace $0x90000046  }
0xb4: {  	s29 =	simm.s32 $0x9;
	_ =	strace $0x80000048  }
0xb5: {  	_ =	swait.ge [sflag:s29], $0x1  }
0xb6: {  	[sflag:s29] =	ssyncadd.s32 $0xFFFFFFFF  }
0xb7: {  	_ =	strace $0x90000048  }
0xb8: {  	_ =	sfence  }
0xb9: {  	s30 =	sld [smem:$0x0];
	_ =	sdelay $0x2  }
0xba: {  	s31 =	sshll.u32 s1, $0xD;
	s1 =	sshrl.u32 s1, $0x2  }
0xbb: {  	s3 =	sand.u32 $0x4000, s31;
	s1 =	sadd.s32 s1, s30  }
0xbc: {  	s0 =	sor.u32 s3, s0;
	s1 =	sshll.u32 s1, $0x11  }
0xbd: {  	s0 =	sor.u32 s1, s0  }
0xbe: {  	s0 =	sadd.s32 $0x8F2B, s0  }
0xbf: {  	[sflag:s0] =	ssyncadd.remote.s32 $0x1  }
0xc0: {  	_ =	sfence.sel $0xFFFF  }
0xc1: {  	[dreg:$0x0] =	wrdreg $0xFFFFFFFF;
	(pc) =	sbr.abs _section_cstart, $3  }
0xc2: {  	[dreg:$0x1] =	wrdreg $0xFFFFFFFF  }
0xc3: {  	_ =	task.clear_ibuf [dreg:s7], $0x2FFFF;
	_ =	strace $0x9FFFFFFF  }
0xc4: {  	(tm) =	ssettm $0x7FFFFFFF  }
0xc5: {  	_ =	shalt  }
tec
execute0_lowered:
.L_overlay_start_1:
0x0: {  	(tag) =	ssettag $0x1  }
0x1: {  	s7 =	rddreg [dreg:$0x0]  }
0x2: {  	s6 =	rddreg [dreg:$0x1]  }
0x3: {  	s1 =	srdreg.scid;
	s2 =	rddreg [dreg:$0x2]  }
0x4: {  	s0 =	stileid.u32;
	s3 =	rddreg [dreg:$0x3]  }
0x5: {  	s4 =	simm.s32 $0x0;
	s17 =	simm.s32 $0x5000;
	s18 =	simm.s32 $0x1  }
0x6: {  	s19 =	simm.s32 $0x2;
	s20 =	simm.s32 $0x20;
	s21 =	simm.s32 $0x10  }
0x7: {  	s22 =	simm.s32 $0x0;
	s5 =	sand.u32 $0x1, s1;
	s10 =	smul.u32 $0x500, s0  }
0x8: {  	s28 =	sshll.u32 s0, $0x1;
	[smem:$0x7FF] =	sst s4;
	s12 =	smul.u32 $0x280, s0  }
0x9: {  	s31 =	sshll.u32 s0, $0x6;
	s1 =	sor.u32 s5, s28;
	s9 =	smul.u32 $0x5000, s5  }
0xa: {  	s29 =	ssub.s32 $0x2, s5;
	s5 =	sadd.s32 $0xB200, s6;
	s8 =	smul.u32 $0x500, s1  }
0xb: {  	s1 =	rddreg [dreg:$0x4];
	_ =	strace $0x80000047;
	s30 =	sshrl.u32 s29, $0x1  }
0xc: {  	s15 =	sadd.s32 s12, s2;
	s16 =	sadd.s32 s12, s3;
	s9 =	sadd.s32 s10, s9  }
0xd: {  	s14 =	ssub.s32 s29, s30;
	s12 =	sshrl.u32 s15, $0x3;
	s15 =	simm.s32 $0x2800  }
0xe: {  	s11 =	sadd.s32 s8, s6;
	s9 =	sshrl.u32 s9, $0x3;
	s7 =	sadd.s32 s7, s8  }
0xf: {  	s13 =	sadd.s32 s9, s6;
	s6 =	sor.u32 $0x1C03, s31;
	s8 =	sadd.s32 $0x1200, s11  }
0x10: {  	s11 =	smax.u32 s14, $0x1;
	s14 =	sshrl.u32 s16, $0x3;
	s16 =	simm.s32 $0x80  }
0x11: {  	v0 =	vimm.f32 $1.000000000e+00;
	s9 =	sadd.s32 $0xB400, s13;
	s10 =	sadd.s32 $0xB410, s13;
	s13 =	simm.s32 $0x3  }
.LBB2_1:
0x12: {  	[spmem:s12], [sflag:s6] =	dma.local [hbm:s5], $0x50  }
0x13: {  	_ =	swait.ge [sflag:s13], $0x50  }
0x14: {  	[sflag:s13] =	ssyncset.done $0x0  }
0x15: {  	[sflag:s13] =	ssyncadd.s32 $0xFFFFFFB0  }
0x16: {  	[spmem:s14], [sflag:s6] =	dma.local [hbm:s5], $0x50  }
0x17: {  	_ =	swait.ge [sflag:s13], $0x50  }
0x18: {  	[sflag:s13] =	ssyncset.done $0x0  }
0x19: {  	[sflag:s13] =	ssyncadd.s32 $0xFFFFFFB0  }
0x1a: {  	[tilespmem:s4], [sflag:$0x3] =	stream.linear.gather [hbm4b:s7+s4], $0x2800, $0x38;
	[tilespmem:$0x5580] =	vst v63  }
0x1b: {  	_ =	swait.ge [sflag:s13], $0x2800  }
0x1c: {  	[sflag:s13] =	ssyncset.done $0x0  }
0x1d: {  	[sflag:s13] =	ssyncadd.s32 $0xFFFFD800  }
0x1e: {  	[tilespmem:s15], [sflag:$0x3] =	stream.linear.gather [hbm4b:s8+s4], $0x2800, $0x38;
	[tilespmem:$0x5580] =	vst v63  }
0x1f: {  	_ =	swait.ge [sflag:s13], $0x2800  }
0x20: {  	[sflag:s13] =	ssyncset.done $0x0  }
0x21: {  	[sflag:s13] =	ssyncadd.s32 $0xFFFFD800  }
0x22: {  	[tilespmem:$0x5000] =	vst v0  }
0x23: {  	[tilespmem:$0x5010] =	vst v0  }
0x24: {  	[tilespmem:$0x5020] =	vst v0  }
0x25: {  	[tilespmem:$0x5030] =	vst v0  }
0x26: {  	[tilespmem:$0x5040] =	vst v0  }
0x27: {  	[tilespmem:$0x5050] =	vst v0  }
0x28: {  	[tilespmem:$0x5060] =	vst v0  }
0x29: {  	[tilespmem:$0x5070] =	vst v0  }
0x2a: {  	s23 =	simm.s32 $0x0;
	[bflag:$0x0] =	sbarrier.arrive $0xFFFF  }
0x2b: {  	[spmem:s2] =	stream.indirect.scatter.add.f32 [tilespmem:s17], [sflag:$0x1], $0x1, s23, s16, $0xb8;
	[tilespmem:$0x5580] =	vst v63  }
0x2c: {  	s24 =	simm.s32 $0x2800;
	s23 =	simm.s32 $0x200  }
.LBB2_2:
0x2d: {  	[spmem:s3] =	stream.indirect.scatter.add.f32 [tilespmem:s17], [sflag:$0x2], $0x1, s24, s16, $0xb8;
	[tilespmem:$0x5580] =	vst v63  }
0x2e: {  	s24 =	smov.u32 s23;
	p0 =	sne.s32 s23, $0x9E00  }
.Ltmp0:
0x2f: {  	s23 =	sadd.s32 $0x200, s23;
	(pc) =	sbr.rel @p0 .LBB2_2-.Ltmp0, $4  }
0x30: {  	_ = 	snop  }
0x31: {  	s24 =	sshra.s32 s24, $0x2  }
0x32: {  	[spmem:s2] =	stream.indirect.scatter.add.f32 [tilespmem:s17], [sflag:$0x1], $0x1, s24, s16, $0xb8;
	[tilespmem:$0x5580] =	vst v63  }
0x33: {  	s24 =	sadd.s32 $0x2800, s24  }
0x34: {  	[spmem:s3] =	stream.indirect.scatter.add.f32 [tilespmem:s17], [sflag:$0x2], $0x1, s24, s16, $0xb8;
	[tilespmem:$0x5580] =	vst v63  }
0x35: {  	_ =	swait.ge [sflag:s18], $0x80  }
0x36: {  	[sflag:s18] =	ssyncset.done $0x0  }
0x37: {  	[sflag:s18] =	ssyncadd.s32 $0xFFFFFF80  }
0x38: {  	_ =	swait.ge [sflag:s19], $0x80  }
0x39: {  	s23 =	simm.s32 $0x4F;
	[sflag:s19] =	ssyncset.done $0x0  }
.LBB2_4:
0x3a: {  	p0 =	sne.s32 s23, $0x1;
	s23 =	sadd.s32 $0xFFFFFFFF, s23;
	[sflag:s19] =	ssyncadd.s32 $0xFFFFFF80  }
.Ltmp1:
0x3b: {  	_ =	swait.ge [sflag:s18], $0x80;
	(pc) =	sbr.rel @p0 .LBB2_4-.Ltmp1, $4  }
0x3c: {  	[sflag:s18] =	ssyncset.done $0x0  }
0x3d: {  	[sflag:s18] =	ssyncadd.s32 $0xFFFFFF80  }
0x3e: {  	_ =	swait.ge [sflag:s19], $0x80  }
0x3f: {  	[sflag:s19] =	ssyncset.done $0x0  }
0x40: {  	[sflag:s19] =	ssyncadd.s32 $0xFFFFFF80  }
0x41: {  	[bflag:$0x0] =	sbarrier.arrive $0xFFFF  }
0x42: {  	[hbm:s9@s20], [sflag:s6] =	dma.strided [spmem:s12@s21], $0x50, s18, $0x10   }
0x43: {  	s22 =	sadd.s32 $0x1, s22;
	_ =	swait.ge [sflag:s13], $0x50  }
0x44: {  	p0 =	sne.s32 s22, s11;
	[sflag:s13] =	ssyncset.done $0x0  }
.Ltmp2:
0x45: {  	[sflag:s13] =	ssyncadd.s32 $0xFFFFFFB0;
	(pc) =	sbr.rel @p0 .LBB2_1-.Ltmp2, $4  }
0x46: {  	[hbm:s10@s20], [sflag:s6] =	dma.strided [spmem:s14@s21], $0x50, s18, $0x10   }
0x47: {  	_ =	swait.ge [sflag:s13], $0x50  }
0x48: {  	[sflag:s13] =	ssyncset.done $0x0  }
0x49: {  	[sflag:s13] =	ssyncadd.s32 $0xFFFFFFB0  }
0x4a: {  	_ =	sfence.sel $0x180000  }
0x4b: {  	[bflag:$0x0] =	sbarrier.arrive $0xFFFF  }
0x4c: {  	p0 =	sne.s32 s0, $0x0;
	_ =	strace $0x90000047  }
0x4d: {  	s0 =	sadd.s32 @!p0 $0x100000, s1;
	[bflag:$0x2] =	sbarrier.arrive $0xFFFF  }
0x4e: {  	[sflag:s0] =	ssyncadd.tile.s32 @!p0 $0x1;
	_ =	shalt  }
.Lfunc_end2:
_tile_overlayer_lowered:
.L_overlay_start_2:
0x4f: {  	(tag) =	ssettag $0x2  }
0x50: {  	s0 =	rddreg [dreg:$0x0];
	s2 =	stileid.u32  }
0x51: {  	s1 =	rddreg [dreg:$0x1];
	p0 =	sne.s32 s2, $0x0  }
0x52: {  	s3 =	rddreg [dreg:$0x2];
	[bflag:$0x3] =	sbarrier.arrive $0xFFFF;
	s2 =	simm.s32 @!p0 $0x1C03  }
0x53: {  	[timem:s3], [sflag:s2] =	dma.local @!p0 [hbm:s0], s1  }
0x54: {  	s0 =	simm.s32 @!p0 $0x3  }
0x55: {  	_ =	swait.ge @!p0 [sflag:s0], s1  }
0x56: {  	s1 =	ssub.s32 @!p0 $0x0, s1;
	[sflag:s0] =	ssyncset.done @!p0 $0x0  }
0x57: {  	[sflag:s0] =	ssyncadd.s32 @!p0 s1  }
0x58: {  	[bflag:$0x3] =	sbarrier.arrive $0xFFFF  }
0x59: {  	_ =	shalt  }

// kernel: kernel.9.cloned.1.call-start
scs
__scs_entry_jumppad:
0x0: {  	(pc) =	sbr.rel $0x88, $3  }
0x1: {  	(tag) =	ssettag $0x0;
	lr =	simm.s32 $0x1  }
0x2: {  	[smem:$0x3F9D] =	sst lr;
	_ =	strace $0xD0000000  }
0x3: {  	_ = 	snop  }
0x4: {  	_ = 	snop  }
0x5: {  	_ = 	snop  }
0x6: {  	_ = 	snop  }
0x7: {  	_ = 	snop  }
__scs_overlays_trampoline_lowered:
0x8: {  	[smem:$0x3FAC] =	sst s0  }
0x9: {  	[smem:$0x3FAD] =	sst s1  }
0xa: {  	[smem:$0x3FAE] =	sst s2  }
0xb: {  	[smem:$0x3FAF] =	sst s3  }
0xc: {  	[smem:$0x3FB0] =	sst s4  }
0xd: {  	[smem:$0x3FB1] =	sst s5  }
0xe: {  	[smem:$0x3FB2] =	sst s6  }
0xf: {  	[smem:$0x3FB3] =	sst s7  }
0x10: {  	[smem:$0x3FB4] =	sst s8  }
0x11: {  	[smem:$0x3FB5] =	sst s9;
	s0 =	simm.s32 @!p0 $0x0  }
0x12: {  	s1 =	sld [smem:$0x3F9B];
	s0 =	simm.s32 @p0 $0x1  }
0x13: {  	[smem:$0x3FB6] =	sst s0;
	s0 =	simm.s32 @!p1 $0x0  }
0x14: {  	s2 =	sld [smem:$0x3F9A];
	s0 =	simm.s32 @p1 $0x1  }
0x15: {  	[smem:$0x3FB7] =	sst s0;
	s0 =	simm.s32 @!p2 $0x0  }
0x16: {  	s3 =	sld [smem:$0x3FDB];
	s0 =	simm.s32 @p2 $0x1  }
0x17: {  	s4 =	simm.s32 $0x1BF5;
	[smem:$0x3FB9] =	sst s0  }
0x18: {  	s0 =	sld [smem:$0x3F9C];
	_ =	swait.ge [sflag:s4], $0x0  }
0x19: {  	s7 =	sld [smem:$0x3F9D]  }
0x1a: {  	s8 =	sadd.s32 $0xFFFFE003, lr  }
0x1b: {  	s9 =	sadd.s32 $0xFFFFFEF7, lr;
	s5 =	simm.s32 $0xFFFFFFFF;
	p2 =	slt.u32 s8, $0xFFFFF086  }
0x1c: {  	p1 =	slt.u32 s9, $0xF7A;
	s5 =	simm.s32 @!p2 $0x0  }
0x1d: {  	s5 =	simm.s32 @p1 $0x1;
	p0 =	seq.s32 s7, s2  }
0x1e: {  	s7 =	smul.u32 @!p0 $0xF7A, s2;
	p2 =	seq.s32 @!p0 s5, $0x0  }
0x1f: {  	s9 =	smul.u32 $0xF7A, s1;
	s8 =	simm.s32 @!p0 $0x1BF5;
	p2 =	por !p2, p0  }
0x20: {  	[sflag:s8] =	ssyncset.s32 @!p0 $0xFFFFF086;
	s6 =	sadd.s32 @!p0 s3, s7;
	s7 =	simm.s32 @!p0 $0x108  }
0x21: {  	s3 =	sadd.s32 s3, s9;
	s6 =	sadd.s32 @!p0 $0x88, s6;
	s7 =	simm.s32 @p2 $0x1082  }
0x22: {  	[simem:s7], [sflag:s8] =	dma.local @!p0 [hbm:s6], $0xF7A  }
0x23: {  	s9 =	sor.u32 $0xD0000000, s2;
	s6 =	simm.s32 $0x108;
	_ =	swait.ge @!p0 [sflag:s8], $0x0  }
0x24: {  	s3 =	sadd.s32 $0x88, s3;
	s6 =	simm.s32 @!p1 $0x1082;
	[sflag:s4] =	ssyncset.s32 $0xFFFFF086  }
0x25: {  	[simem:s6], [sflag:s4] =	dma.local [hbm:s3], $0xF7A  }
0x26: {  	[smem:$0x3F9D] =	sst s1;
	(tag) =	ssettag s2;
	_ =	strace s9  }
0x27: {  	s1 =	sld [smem:$0x3FAD]  }
0x28: {  	s2 =	sld [smem:$0x3FAE]  }
0x29: {  	s4 =	sld [smem:$0x3FB0]  }
0x2a: {  	p0 =	seq.s32 s5, $0x0;
	s5 =	sld [smem:$0x3FB1]  }
0x2b: {  	s6 =	sld [smem:$0x3FB2]  }
0x2c: {  	s7 =	sld [smem:$0x3FB3]  }
0x2d: {  	s3 =	simm.s32 $0x108;
	s8 =	sld [smem:$0x3FB4]  }
0x2e: {  	s3 =	simm.s32 @!p0 $0x1082;
	s9 =	sld [smem:$0x3FB5]  }
0x2f: {  	lr =	sadd.s32 s0, s3;
	s0 =	sld [smem:$0x3FAC]  }
0x30: {  	s3 =	sld [smem:$0x3FAF]  }
0x31: {  	[smem:$0x3FB8] =	sst s10  }
0x32: {  	s10 =	sld [smem:$0x3FB6];
	_ =	sdelay $0x3  }
0x33: {  	p0 =	seq.s32 s10, $0x1;
	s10 =	sld [smem:$0x3FB8];
	_ =	sdelay $0x3  }
0x34: {  	[smem:$0x3FB8] =	sst s10  }
0x35: {  	s10 =	sld [smem:$0x3FB7];
	_ =	sdelay $0x3  }
0x36: {  	p1 =	seq.s32 s10, $0x1;
	s10 =	sld [smem:$0x3FB8];
	_ =	sdelay $0x3  }
0x37: {  	[smem:$0x3FB8] =	sst s10  }
0x38: {  	s10 =	sld [smem:$0x3FB9]  }
0x39: {  	_ = 	snop;
	(pc) =	sbr.ind lr, $3  }
0x3a: {  	_ = 	snop  }
0x3b: {  	_ = 	snop  }
0x3c: {  	p2 =	seq.s32 s10, $0x1;
	s10 =	sld [smem:$0x3FB8]  }
0x3d: {  	_ =	shalt  }
0x3e: {  	_ =	shalt  }
0x3f: {  	_ =	shalt  }
0x40: {  	_ =	shalt  }
0x41: {  	_ =	shalt  }
0x42: {  	_ =	shalt  }
0x43: {  	_ =	shalt  }
0x44: {  	_ =	shalt  }
0x45: {  	_ =	shalt  }
0x46: {  	_ =	shalt  }
0x47: {  	_ =	shalt  }
0x48: {  	_ =	shalt  }
0x49: {  	_ =	shalt  }
0x4a: {  	_ =	shalt  }
0x4b: {  	_ =	shalt  }
0x4c: {  	_ =	shalt  }
0x4d: {  	_ =	shalt  }
0x4e: {  	_ =	shalt  }
0x4f: {  	_ =	shalt  }
0x50: {  	_ =	shalt  }
0x51: {  	_ =	shalt  }
0x52: {  	_ =	shalt  }
0x53: {  	_ =	shalt  }
0x54: {  	_ =	shalt  }
0x55: {  	_ =	shalt  }
0x56: {  	_ =	shalt  }
0x57: {  	_ =	shalt  }
0x58: {  	_ =	shalt  }
0x59: {  	_ =	shalt  }
0x5a: {  	_ =	shalt  }
0x5b: {  	_ =	shalt  }
0x5c: {  	_ =	shalt  }
0x5d: {  	_ =	shalt  }
0x5e: {  	_ =	shalt  }
0x5f: {  	_ =	shalt  }
0x60: {  	_ =	shalt  }
0x61: {  	_ =	shalt  }
0x62: {  	_ =	shalt  }
0x63: {  	_ =	shalt  }
0x64: {  	_ =	shalt  }
0x65: {  	_ =	shalt  }
0x66: {  	_ =	shalt  }
0x67: {  	_ =	shalt  }
0x68: {  	_ =	shalt  }
0x69: {  	_ =	shalt  }
0x6a: {  	_ =	shalt  }
0x6b: {  	_ =	shalt  }
0x6c: {  	_ =	shalt  }
0x6d: {  	_ =	shalt  }
0x6e: {  	_ =	shalt  }
0x6f: {  	_ =	shalt  }
0x70: {  	_ =	shalt  }
0x71: {  	_ =	shalt  }
0x72: {  	_ =	shalt  }
0x73: {  	_ =	shalt  }
0x74: {  	_ =	shalt  }
0x75: {  	_ =	shalt  }
0x76: {  	_ =	shalt  }
0x77: {  	_ =	shalt  }
0x78: {  	_ =	shalt  }
0x79: {  	_ =	shalt  }
0x7a: {  	_ =	shalt  }
0x7b: {  	_ =	shalt  }
0x7c: {  	_ =	shalt  }
0x7d: {  	_ =	shalt  }
0x7e: {  	_ =	shalt  }
0x7f: {  	_ =	shalt  }
0x80: {  	_ =	shalt  }
0x81: {  	_ =	shalt  }
0x82: {  	_ =	shalt  }
0x83: {  	_ =	shalt  }
0x84: {  	_ =	shalt  }
0x85: {  	_ =	shalt  }
0x86: {  	_ =	shalt  }
0x87: {  	_ =	shalt  }
.Lfunc_end0:
.L_simem_size_0:
called_computation.1_lowered:
.L_overlay_start_0:
0x88: {  	s2 =	sld [smem:$0x3FD9]  }
0x89: {  	s3 =	sld [smem:$0x3FFE];
	_ =	sdelay $0x1  }
0x8a: {  	s1 =	srdreg.scid  }
0x8b: {  	s0 =	sand.u32 $0x1, s1  }
0x8c: {  	s17 =	sshll.u32 s0, $0xA;
	s2 =	sadd.s32 s3, s2  }
0x8d: {  	s2 =	sadd.s32 s2, s17  }
0x8e: {  	[smem:$0x3FC4] =	sst s2  }
0x8f: {  	_ = 	snop  }
0x90: {  	s2 =	sld [smem:$0x3FD0];
	(tm) =	ssettm $0x1  }
0x91: {  	s18 =	sld [smem:$0x3FFB];
	_ =	sdelay $0x3  }
0x92: {  	_ =	strace s18  }
0x93: {  	s3 =	sld [smem:$0x3FFC];
	_ =	sdelay $0x3  }
0x94: {  	_ =	strace s3  }
0x95: {  	s3 =	sld [smem:$0x3FFD];
	_ =	sdelay $0x3  }
0x96: {  	_ =	strace s3  }
0x97: {  	_ =	strace $0x8FFFFFFF  }
0x98: {  	s19 =	sld [smem:$0x3FDB];
	_ =	sdelay $0x1  }
0x99: {  	s4 =	simm.s32 $_scs_section_size  }
0x9a: {  	s5 =	simm.s32 $_size__tile_overlayer_lowered;
	s6 =	simm.s32 $_tile_overlayer_lowered  }
0x9b: {  	s22 =	simm.s32 $0x1BFF;
	s21 =	sshll.u32 s6, $0x1;
	s3 =	sadd.s32 s4, s19  }
0x9c: {  	s7 =	simm.s32 $0x0;
	s20 =	sshll.u32 s5, $0x1;
	s5 =	sadd.s32 s21, s3  }
0x9d: {  	[timem:s7], [sflag:s22] =	dma.local [hbm:s5], s20  }
0x9e: {  	_ =	swait.ge [sflag:s22], s20  }
0x9f: {  	s4 =	ssub.s32 $0x0, s20;
	[sflag:s22] =	ssyncset.done $0x0  }
0xa0: {  	[sflag:s22] =	ssyncadd.s32 s4;
	_ =	sdelay $0x1  }
0xa1: {  	s23 =	simm.s32 $0x1B8B  }
0xa2: {  	_ =	swait.ge [sflag:s23], $0x1  }
0xa3: {  	[sflag:s23] =	ssyncset.done $0x0  }
0xa4: {  	s25 =	simm.s32 $0x1B8E;
	s24 =	sld [smem:$0x3FFE];
	[sflag:s23] =	ssyncadd.s32 $0xFFFFFFFF  }
0xa5: {  	s26 =	simm.s32 $execute0_lowered;
	[smem:$0x3FD2] =	sst s25  }
0xa6: {  	s5 =	sshll.u32 s26, $0x1;
	_ =	strace $0x80000049;
	[dreg:$0x1] =	wrdreg $0xFFFFFFFF  }
0xa7: {  	s28 =	simm.s32 $_size_execute0_lowered;
	s3 =	sadd.s32 s3, s5;
	[dreg:$0x0] =	wrdreg $0x0  }
0xa8: {  	s5 =	sshll.u32 s28, $0x1;
	[dreg:$0x2] =	wrdreg s3  }
0xa9: {  	[dreg:$0x3] =	wrdreg s5  }
0xaa: {  	[dreg:$0x4] =	wrdreg $0xC0  }
0xab: {  	_ =	task [dreg:s7], $0x5FFFF  }
0xac: {  	[dreg:$0x1] =	wrdreg $0xFFFFFFFF  }
0xad: {  	[dreg:$0x0] =	wrdreg $0x60  }
0xae: {  	[dreg:$0x2] =	wrdreg s24  }
0xaf: {  	[dreg:$0x3] =	wrdreg s2  }
0xb0: {  	[dreg:$0x4] =	wrdreg $0x82000  }
0xb1: {  	[dreg:$0x5] =	wrdreg $0x9  }
0xb2: {  	_ =	task.clear_ibuf [dreg:s7], $0x6FFFF;
	_ =	strace $0x90000049  }
0xb3: {  	s29 =	simm.s32 $0x9;
	_ =	strace $0x8000004B  }
0xb4: {  	_ =	swait.ge [sflag:s29], $0x1  }
0xb5: {  	[sflag:s29] =	ssyncadd.s32 $0xFFFFFFFF  }
0xb6: {  	_ =	strace $0x9000004B  }
0xb7: {  	_ =	sfence  }
0xb8: {  	s30 =	sld [smem:$0x0];
	_ =	sdelay $0x2  }
0xb9: {  	s31 =	sshll.u32 s1, $0xD;
	s1 =	sshrl.u32 s1, $0x2  }
0xba: {  	s3 =	sand.u32 $0x4000, s31;
	s1 =	sadd.s32 s1, s30  }
0xbb: {  	s0 =	sor.u32 s3, s0;
	s1 =	sshll.u32 s1, $0x11  }
0xbc: {  	s0 =	sor.u32 s1, s0  }
0xbd: {  	s0 =	sadd.s32 $0x8F2B, s0  }
0xbe: {  	[sflag:s0] =	ssyncadd.remote.s32 $0x1  }
0xbf: {  	_ =	sfence.sel $0xFFFF  }
0xc0: {  	[dreg:$0x0] =	wrdreg $0xFFFFFFFF;
	(pc) =	sbr.abs _section_cstart, $3  }
0xc1: {  	[dreg:$0x1] =	wrdreg $0xFFFFFFFF  }
0xc2: {  	_ =	task.clear_ibuf [dreg:s7], $0x2FFFF;
	_ =	strace $0x9FFFFFFF  }
0xc3: {  	(tm) =	ssettm $0x7FFFFFFF  }
tec
execute0_lowered:
.L_overlay_start_1:
0x0: {  	(tag) =	ssettag $0x1  }
0x1: {  	s9 =	rddreg [dreg:$0x0]  }
0x2: {  	s1 =	rddreg [dreg:$0x1]  }
0x3: {  	s2 =	rddreg [dreg:$0x2];
	s3 =	srdreg.scid;
	s4 =	simm.s32 $0x0  }
0x4: {  	s0 =	stileid.u32;
	s19 =	simm.s32 $0x80;
	s21 =	simm.s32 $0x180  }
0x5: {  	s20 =	simm.s32 $0x200;
	s23 =	simm.s32 $0x4200;
	s22 =	simm.s32 $0x2  }
0x6: {  	s24 =	simm.s32 $0x4;
	s13 =	sand.u32 $0x1, s3;
	s10 =	smul.u32 $0x14000, s0  }
0x7: {  	[smem:$0x7FF] =	sst s4;
	s5 =	sadd.s32 $0xB200, s9;
	s16 =	smul.u32 $0x50000, s0  }
0x8: {  	s7 =	sadd.s32 $0x1200, s9;
	s25 =	sadd.s32 $0x33200, s9;
	s8 =	smul.u32 $0x140000, s13  }
0x9: {  	s29 =	sshll.u32 s0, $0x6;
	s6 =	smul.u32 $0xFFFFFF70, s13;
	_ =	strace $0x8000004A  }
0xa: {  	s11 =	smul.u32 $0x980, s13;
	[dreg:$0x6] =	wrdreg s25;
	s12 =	ssub.s32 $0x2, s13  }
0xb: {  	s18 =	smul.u32 $0x9800, s13;
	[dreg:$0x5] =	wrdreg s21;
	s21 =	simm.s32 $0x1  }
0xc: {  	[dreg:$0x4] =	wrdreg s23;
	s23 =	simm.s32 $0x3;
	s25 =	simm.s32 $0x0  }
0xd: {  	s14 =	sshrl.u32 s12, $0x1;
	s28 =	sshrl.u32 s16, $0x2;
	s6 =	sadd.s32 $0x98, s6  }
0xe: {  	s10 =	sadd.s32 s10, s8;
	s14 =	ssub.s32 s12, s14;
	s15 =	smul.u32 s0, s6  }
0xf: {  	s16 =	sadd.s32 s28, s2;
	s10 =	sshrl.u32 s10, $0x3;
	s12 =	sshrl.u32 s6, $0x1  }
0x10: {  	s14 =	smax.u32 s14, $0x1;
	s16 =	sshrl.u32 s16, $0x3;
	s11 =	sadd.s32 s11, s15  }
0x11: {  	s17 =	sadd.s32 s10, s9;
	s9 =	sor.u32 $0x1C05, s29;
	s26 =	sshll.u32 s11, $0x4  }
0x12: {  	s13 =	sadd.s32 $0x35A00, s17;
	s15 =	sshll.u32 s15, $0x4;
	s30 =	sand.u32 $0x1FFFFF80, s26  }
0x13: {  	s17 =	simm.s32 $0x5;
	s15 =	sadd.s32 s18, s15;
	s31 =	sadd.s32 s1, s30  }
0x14: {  	s18 =	simm.s32 $0x100;
	s11 =	sadd.s32 s7, s30;
	[dreg:$0x7] =	wrdreg s31  }
.LBB2_1:
0x15: {  	s0 =	rddreg [dreg:$0x6]  }
0x16: {  	[spmem:s16], [sflag:s9] =	dma.local [hbm:s0], $0x2800  }
0x17: {  	_ =	swait.ge [sflag:s17], $0x2800  }
0x18: {  	[sflag:s17] =	ssyncset.done $0x0  }
0x19: {  	[sflag:s17] =	ssyncadd.s32 $0xFFFFD800  }
0x1a: {  	[bflag:$0x0] =	sbarrier.arrive $0xFFFF  }
0x1b: {  	s31 =	rddreg [dreg:$0x7]  }
0x1c: {  	[tilespmem:s4], [sflag:$0x5] =	stream.linear.gather [hbm4b:s31+s4], $0x80, $0x38;
	[tilespmem:$0x1C200] =	vst v63  }
0x1d: {  	_ =	swait.ge [sflag:s17], $0x80  }
0x1e: {  	s26 =	sadd.s32 $0xFFFFFFFF, s12;
	[sflag:s17] =	ssyncset.done $0x0  }
0x1f: {  	p2 =	sne.s32 s26, $0x0;
	[sflag:s17] =	ssyncadd.s32 $0xFFFFFF80  }
0x20: {  	[tilespmem:s18], [sflag:$0x5] =	stream.linear.gather [hbm4b:s11+s4], $0x80, $0x38;
	[tilespmem:$0x1C200] =	vst v63  }
.Ltmp0:
0x21: {  	_ = 	snop;
	(pc) =	sbr.rel @!p2 .LBB2_2-.Ltmp0, $4  }
0x22: {  	_ =	swait.ge [sflag:s17], $0x80  }
0x23: {  	p0 =	sle.s32 s6, $0x1;
	[sflag:s17] =	ssyncset.done $0x0  }
0x24: {  	p1 =	por $0x0, $0x0;
	p3 =	por @!p0 $0x1, $0x1;
	[sflag:s17] =	ssyncadd.s32 $0xFFFFFF80  }
0x25: {  	[tilespmem:s20], [sflag:$0x1] =	stream.indirect.gather [hbm4b:s5+s19], $0x80, s4, s19, $0xb8;
	[tilespmem:$0x1C200] =	vst v63  }
0x26: {  	p1 =	por p3, p0  }
0x27: {  	s29 =	simm.s32 @!p1 $0x4  }
0x28: {  	s28 =	sadd.s32 @!p0 $0x10, s15;
	s31 =	simm.s32 @!p0 $0x5;
	_ =	swait.ge @!p1 [sflag:s29], $0x4000  }
0x29: {  	s0 =	simm.s32 @!p0 $0x0;
	s28 =	sand.u32 @!p0 $0x1FFFFFF0, s28;
	[sflag:s29] =	ssyncset.done @!p1 $0x0  }
0x2a: {  	s3 =	simm.s32 @!p0 $0x80;
	s30 =	sadd.s32 @!p0 s1, s28;
	[sflag:s29] =	ssyncadd.s32 @!p1 $0xFFFFC000  }
0x2b: {  	[tilespmem:s3], [sflag:$0x5] =	stream.linear.gather @!p0 [hbm4b:s30+s0], $0x80, $0x38;
	[tilespmem:$0x1C200] =	vst v63  }
0x2c: {  	_ =	swait.ge @!p0 [sflag:s31], $0x80  }
0x2d: {  	[sflag:s31] =	ssyncset.done @!p0 $0x0  }
0x2e: {  	s28 =	sadd.s32 @!p0 s7, s28;
	s29 =	simm.s32 @!p0 $0x180;
	[sflag:s31] =	ssyncadd.s32 @!p0 $0xFFFFFF80  }
0x2f: {  	[tilespmem:s29], [sflag:$0x5] =	stream.linear.gather @!p0 [hbm4b:s28+s0], $0x80, $0x38;
	[tilespmem:$0x1C200] =	vst v63  }
0x30: {  	_ =	swait.ge @!p0 [sflag:s31], $0x80  }
0x31: {  	[sflag:s31] =	ssyncset.done @!p0 $0x0  }
0x32: {  	s0 =	simm.s32 @!p0 $0x4200;
	[sflag:s31] =	ssyncadd.s32 @!p0 $0xFFFFFF80  }
0x33: {  	[tilespmem:s0], [sflag:$0x2] =	stream.indirect.gather @!p0 [hbm4b:s5+s3], $0x80, s3, s3, $0xb8;
	[tilespmem:$0x1C200] =	vst v63  }
0x34: {  	_ =	swait.ge [sflag:s21], $0x4000  }
0x35: {  	p0 =	sle.s32 s6, $0x2;
	[sflag:s21] =	ssyncset.done $0x0  }
0x36: {  	s0 =	simm.s32 @!p0 $0x3;
	[sflag:s21] =	ssyncadd.s32 $0xFFFFC000  }
0x37: {  	[spmem:s2] =	stream.indirect.scatter.add.f32 [tilespmem:s20], [sflag:$0x3], $0x80, s18, s19, $0xb8;
	[tilespmem:$0x1C200] =	vst v63  }
0x38: {  	s3 =	sadd.s32 @!p0 $0x20, s15;
	_ =	swait.ge @!p0 [sflag:s0], $0x4000  }
0x39: {  	s30 =	simm.s32 @!p0 $0x5;
	s3 =	sand.u32 @!p0 $0x1FFFFFE0, s3;
	[sflag:s0] =	ssyncset.done @!p0 $0x0  }
0x3a: {  	s28 =	sadd.s32 @!p0 s1, s3;
	[sflag:s0] =	ssyncadd.s32 @!p0 $0xFFFFC000;
	s0 =	simm.s32 @!p0 $0x0  }
0x3b: {  	[tilespmem:s0], [sflag:$0x5] =	stream.linear.gather @!p0 [hbm4b:s28+s0], $0x80, $0x38;
	[tilespmem:$0x1C200] =	vst v63  }
0x3c: {  	_ =	swait.ge @!p0 [sflag:s30], $0x80  }
0x3d: {  	s29 =	sadd.s32 $0xFFFFFFFF, s26;
	[sflag:s30] =	ssyncset.done @!p0 $0x0  }
0x3e: {  	s3 =	sadd.s32 @!p0 s7, s3;
	s28 =	simm.s32 @!p0 $0x100;
	[sflag:s30] =	ssyncadd.s32 @!p0 $0xFFFFFF80  }
0x3f: {  	[tilespmem:s28], [sflag:$0x5] =	stream.linear.gather @!p0 [hbm4b:s3+s0], $0x80, $0x38;
	[tilespmem:$0x1C200] =	vst v63  }
0x40: {  	p1 =	por $0x1, $0x1;
	p2 =	sne.s32 s29, $0x0;
	_ =	swait.ge @!p0 [sflag:s30], $0x80  }
.Ltmp1:
0x41: {  	s26 =	simm.s32 @!p0 $0x200;
	[sflag:s30] =	ssyncset.done @!p0 $0x0;
	(pc) =	sbr.rel @!p2 .LBB2_5-.Ltmp1, $4  }
0x42: {  	s3 =	simm.s32 @!p0 $0x80;
	s28 =	simm.s32 $0x2;
	[sflag:s30] =	ssyncadd.s32 @!p0 $0xFFFFFF80  }
0x43: {  	[tilespmem:s26], [sflag:$0x1] =	stream.indirect.gather @!p0 [hbm4b:s5+s3], $0x80, s0, s3, $0xb8;
	[tilespmem:$0x1C200] =	vst v63  }
0x44: {  	p0 =	sle.s32 s6, $0x3;
	s26 =	sadd.s32 $0x20, s15;
	_ =	swait.ge [sflag:s22], $0x4000  }
0x45: {  	p3 =	por @!p0 $0x0, $0x0;
	[sflag:s22] =	ssyncset.done $0x0;
	s30 =	rddreg [dreg:$0x4]  }
.LBB2_4:
0x46: {  	p3 =	por p3, p0  }
0x47: {  	s3 =	rddreg [dreg:$0x5];
	[sflag:s22] =	ssyncadd.s32 $0xFFFFC000;
	s31 =	simm.s32 @!p3 $0x4  }
0x48: {  	[spmem:s2] =	stream.indirect.scatter.add.f32 [tilespmem:s30], [sflag:$0x4], $0x80, s3, s19, $0xb8;
	[tilespmem:$0x1C200] =	vst v63  }
0x49: {  	s0 =	sadd.s32 @!p0 $0x10, s26;
	s10 =	simm.s32 @!p0 $0x80;
	_ =	swait.ge @!p3 [sflag:s31], $0x4000  }
0x4a: {  	s0 =	sand.u32 @!p0 $0x1FFFFFF0, s0;
	s3 =	simm.s32 @!p0 $0x5;
	[sflag:s31] =	ssyncset.done @!p3 $0x0  }
0x4b: {  	s30 =	simm.s32 @!p0 $0x0;
	s8 =	sadd.s32 @!p0 s1, s0;
	[sflag:s31] =	ssyncadd.s32 @!p3 $0xFFFFC000  }
0x4c: {  	[tilespmem:s10], [sflag:$0x5] =	stream.linear.gather @!p0 [hbm4b:s8+s30], $0x80, $0x38;
	[tilespmem:$0x1C200] =	vst v63  }
0x4d: {  	_ =	swait.ge @!p0 [sflag:s3], $0x80  }
0x4e: {  	[sflag:s3] =	ssyncset.done @!p0 $0x0  }
0x4f: {  	s0 =	sadd.s32 @!p0 s7, s0;
	s8 =	simm.s32 @!p0 $0x180;
	[sflag:s3] =	ssyncadd.s32 @!p0 $0xFFFFFF80  }
0x50: {  	[tilespmem:s8], [sflag:$0x5] =	stream.linear.gather @!p0 [hbm4b:s0+s30], $0x80, $0x38;
	[tilespmem:$0x1C200] =	vst v63  }
0x51: {  	_ =	swait.ge @!p0 [sflag:s3], $0x80  }
0x52: {  	[sflag:s3] =	ssyncset.done @!p0 $0x0  }
0x53: {  	s0 =	simm.s32 @!p0 $0x4200;
	[sflag:s3] =	ssyncadd.s32 @!p0 $0xFFFFFF80  }
0x54: {  	[tilespmem:s0], [sflag:$0x2] =	stream.indirect.gather @!p0 [hbm4b:s5+s10], $0x80, s10, s10, $0xb8;
	[tilespmem:$0x1C200] =	vst v63  }
0x55: {  	s28 =	sadd.s32 $0x2, s28;
	_ =	swait.ge [sflag:s21], $0x4000  }
0x56: {  	p0 =	sge.s32 s28, s6;
	[sflag:s21] =	ssyncset.done $0x0  }
0x57: {  	s0 =	simm.s32 @!p0 $0x3;
	[sflag:s21] =	ssyncadd.s32 $0xFFFFC000  }
0x58: {  	[spmem:s2] =	stream.indirect.scatter.add.f32 [tilespmem:s20], [sflag:$0x3], $0x80, s18, s19, $0xb8;
	[tilespmem:$0x1C200] =	vst v63  }
0x59: {  	s3 =	sadd.s32 @!p0 $0x20, s26;
	_ =	swait.ge @!p0 [sflag:s0], $0x4000  }
0x5a: {  	s10 =	simm.s32 @!p0 $0x5;
	s3 =	sand.u32 @!p0 $0x1FFFFFE0, s3;
	[sflag:s0] =	ssyncset.done @!p0 $0x0  }
0x5b: {  	s8 =	sadd.s32 @!p0 s1, s3;
	[sflag:s0] =	ssyncadd.s32 @!p0 $0xFFFFC000;
	s0 =	simm.s32 @!p0 $0x0  }
0x5c: {  	[tilespmem:s0], [sflag:$0x5] =	stream.linear.gather @!p0 [hbm4b:s8+s0], $0x80, $0x38;
	[tilespmem:$0x1C200] =	vst v63  }
0x5d: {  	_ =	swait.ge @!p0 [sflag:s10], $0x80  }
0x5e: {  	s29 =	sadd.s32 $0xFFFFFFFF, s29;
	[sflag:s10] =	ssyncset.done @!p0 $0x0  }
0x5f: {  	s3 =	sadd.s32 @!p0 s7, s3;
	s8 =	simm.s32 @!p0 $0x100;
	[sflag:s10] =	ssyncadd.s32 @!p0 $0xFFFFFF80  }
0x60: {  	[tilespmem:s8], [sflag:$0x5] =	stream.linear.gather @!p0 [hbm4b:s3+s0], $0x80, $0x38;
	[tilespmem:$0x1C200] =	vst v63  }
0x61: {  	p2 =	sne.s32 s29, $0x0;
	_ =	swait.ge @!p0 [sflag:s10], $0x80  }
.Ltmp2:
0x62: {  	s31 =	sadd.s32 $0x1, s28;
	[sflag:s10] =	ssyncset.done @!p0 $0x0;
	(pc) =	sbr.rel @p2 .LBB2_4-.Ltmp2, $4  }
0x63: {  	s8 =	simm.s32 @!p0 $0x80;
	[sflag:s10] =	ssyncadd.s32 @!p0 $0xFFFFFF80;
	s10 =	simm.s32 @!p0 $0x200  }
0x64: {  	[tilespmem:s10], [sflag:$0x1] =	stream.indirect.gather @!p0 [hbm4b:s5+s8], $0x80, s0, s8, $0xb8;
	[tilespmem:$0x1C200] =	vst v63  }
0x65: {  	s26 =	sadd.s32 $0x20, s26;
	p0 =	sge.s32 s31, s6;
	_ =	swait.ge [sflag:s22], $0x4000  }
0x66: {  	p3 =	slt.s32 @!p0 s28, $0x1;
	[sflag:s22] =	ssyncset.done $0x0;
	s30 =	rddreg [dreg:$0x4]  }
.LBB2_5:
0x67: {  	p2 =	por p3, p0  }
0x68: {  	s0 =	rddreg [dreg:$0x5];
	[sflag:s22] =	ssyncadd.s32 @p1 $0xFFFFC000;
	s8 =	simm.s32 @!p2 $0x4  }
0x69: {  	[spmem:s2] =	stream.indirect.scatter.add.f32 @p1 [tilespmem:s30], [sflag:$0x4], $0x80, s0, s19, $0xb8;
	[tilespmem:$0x1C200] =	vst v63  }
0x6a: {  	s3 =	sadd.s32 @!p0 $0x10, s26;
	s10 =	simm.s32 @!p0 $0x5;
	_ =	swait.ge @!p2 [sflag:s8], $0x4000  }
0x6b: {  	s29 =	simm.s32 @!p0 $0x0;
	s0 =	sand.u32 @!p0 $0x1FFFFFF0, s3;
	[sflag:s8] =	ssyncset.done @!p2 $0x0  }
0x6c: {  	s30 =	simm.s32 @!p0 $0x80;
	s3 =	sadd.s32 @!p0 s1, s0;
	[sflag:s8] =	ssyncadd.s32 @!p2 $0xFFFFC000  }
0x6d: {  	[tilespmem:s30], [sflag:$0x5] =	stream.linear.gather @!p0 [hbm4b:s3+s29], $0x80, $0x38;
	[tilespmem:$0x1C200] =	vst v63  }
0x6e: {  	_ =	swait.ge @!p0 [sflag:s10], $0x80  }
0x6f: {  	[sflag:s10] =	ssyncset.done @!p0 $0x0  }
0x70: {  	s0 =	sadd.s32 @!p0 s7, s0;
	s3 =	simm.s32 @!p0 $0x180;
	[sflag:s10] =	ssyncadd.s32 @!p0 $0xFFFFFF80  }
0x71: {  	[tilespmem:s3], [sflag:$0x5] =	stream.linear.gather @!p0 [hbm4b:s0+s29], $0x80, $0x38;
	[tilespmem:$0x1C200] =	vst v63  }
0x72: {  	_ =	swait.ge @!p0 [sflag:s10], $0x80  }
0x73: {  	[sflag:s10] =	ssyncset.done @!p0 $0x0  }
0x74: {  	s0 =	simm.s32 @!p0 $0x4200;
	[sflag:s10] =	ssyncadd.s32 @!p0 $0xFFFFFF80  }
0x75: {  	[tilespmem:s0], [sflag:$0x2] =	stream.indirect.gather @!p0 [hbm4b:s5+s30], $0x80, s30, s30, $0xb8;
	[tilespmem:$0x1C200] =	vst v63  }
0x76: {  	s29 =	sadd.s32 $0x2, s28;
	_ =	swait.ge [sflag:s21], $0x4000  }
0x77: {  	p0 =	sge.s32 s29, s6;
	[sflag:s21] =	ssyncset.done $0x0  }
0x78: {  	s0 =	simm.s32 @!p0 $0x3;
	[sflag:s21] =	ssyncadd.s32 $0xFFFFC000  }
0x79: {  	[spmem:s2] =	stream.indirect.scatter.add.f32 [tilespmem:s20], [sflag:$0x3], $0x80, s18, s19, $0xb8;
	[tilespmem:$0x1C200] =	vst v63  }
0x7a: {  	s3 =	sadd.s32 @!p0 $0x20, s26;
	_ =	swait.ge @!p0 [sflag:s0], $0x4000  }
0x7b: {  	s10 =	simm.s32 @!p0 $0x5;
	s3 =	sand.u32 @!p0 $0x1FFFFFE0, s3;
	[sflag:s0] =	ssyncset.done @!p0 $0x0  }
0x7c: {  	s8 =	sadd.s32 @!p0 s1, s3;
	[sflag:s0] =	ssyncadd.s32 @!p0 $0xFFFFC000;
	s0 =	simm.s32 @!p0 $0x0  }
0x7d: {  	[tilespmem:s0], [sflag:$0x5] =	stream.linear.gather @!p0 [hbm4b:s8+s0], $0x80, $0x38;
	[tilespmem:$0x1C200] =	vst v63  }
0x7e: {  	_ =	swait.ge @!p0 [sflag:s10], $0x80  }
0x7f: {  	[sflag:s10] =	ssyncset.done @!p0 $0x0  }
0x80: {  	s3 =	sadd.s32 @!p0 s7, s3;
	s8 =	simm.s32 @!p0 $0x100;
	[sflag:s10] =	ssyncadd.s32 @!p0 $0xFFFFFF80  }
0x81: {  	[tilespmem:s8], [sflag:$0x5] =	stream.linear.gather @!p0 [hbm4b:s3+s0], $0x80, $0x38;
	[tilespmem:$0x1C200] =	vst v63  }
0x82: {  	_ =	swait.ge @!p0 [sflag:s10], $0x80  }
0x83: {  	[sflag:s10] =	ssyncset.done @!p0 $0x0  }
0x84: {  	s3 =	simm.s32 @!p0 $0x80;
	s8 =	simm.s32 @!p0 $0x200;
	[sflag:s10] =	ssyncadd.s32 @!p0 $0xFFFFFF80  }
0x85: {  	[tilespmem:s8], [sflag:$0x1] =	stream.indirect.gather @!p0 [hbm4b:s5+s3], $0x80, s0, s3, $0xb8;
	[tilespmem:$0x1C200] =	vst v63  }
0x86: {  	_ =	swait.ge [sflag:s22], $0x4000  }
0x87: {  	s30 =	rddreg [dreg:$0x4];
	[sflag:s22] =	ssyncset.done $0x0  }
0x88: {  	s31 =	rddreg [dreg:$0x5];
	[sflag:s22] =	ssyncadd.s32 $0xFFFFC000  }
0x89: {  	[spmem:s2] =	stream.indirect.scatter.add.f32 [tilespmem:s30], [sflag:$0x4], $0x80, s31, s19, $0xb8;
	[tilespmem:$0x1C200] =	vst v63  }
0x8a: {  	_ =	swait.ge [sflag:s23], $0x4000  }
0x8b: {  	[sflag:s23] =	ssyncset.done $0x0  }
0x8c: {  	[sflag:s23] =	ssyncadd.s32 $0xFFFFC000  }
0x8d: {  	_ =	swait.ge [sflag:s24], $0x4000  }
0x8e: {  	[sflag:s24] =	ssyncset.done $0x0  }
0x8f: {  	s25 =	sadd.s32 $0x1, s25;
	[sflag:s24] =	ssyncadd.s32 $0xFFFFC000  }
0x90: {  	p0 =	sne.s32 s25, s14;
	[bflag:$0x0] =	sbarrier.arrive $0xFFFF  }
0x91: {  	[hbm:s13], [sflag:s9] =	dma.local [spmem:s16], $0x2800  }
.Ltmp3:
0x92: {  	_ = 	snop;
	(pc) =	sbr.rel @p0 .LBB2_1-.Ltmp3, $4  }
.Ltmp4:
0x93: {  	_ = 	snop;
	(pc) =	sbr.rel @!p0 .LBB2_6-.Ltmp4, $4  }
0x94: {  	_ =	swait.ge [sflag:s17], $0x2800  }
0x95: {  	[sflag:s17] =	ssyncset.done $0x0  }
0x96: {  	[sflag:s17] =	ssyncadd.s32 $0xFFFFD800  }
0x97: {  	_ = 	snop  }
.LBB2_2:
.Ltmp5:
0x98: {  	(pc) =	sbr.rel .LBB2_5-.Ltmp5, $2  }
0x99: {  	_ =	sdelay $0x2  }
0x9a: {  	s26 =	smov.u32 s15;
	s28 =	simm.s32 $0x0  }
.LBB2_6:
0x9b: {  	_ =	sfence.sel $0x180000  }
0x9c: {  	[bflag:$0x0] =	sbarrier.arrive $0xFFFF  }
0x9d: {  	_ =	strace $0x9000004A  }
0x9e: {  	s0 =	stileid.u32;
	[bflag:$0x2] =	sbarrier.arrive $0xFFFF  }
0x9f: {  	p0 =	sne.s32 s0, $0x0;
	s0 =	rddreg [dreg:$0x3]  }
0xa0: {  	s0 =	sadd.s32 @!p0 $0x100000, s0  }
0xa1: {  	[sflag:s0] =	ssyncadd.tile.s32 @!p0 $0x1;
	_ =	shalt  }
.Lfunc_end2:
_tile_overlayer_lowered:
.L_overlay_start_2:
0xa2: {  	(tag) =	ssettag $0x2  }
0xa3: {  	s0 =	rddreg [dreg:$0x0];
	s2 =	stileid.u32  }
0xa4: {  	s1 =	rddreg [dreg:$0x1];
	p0 =	sne.s32 s2, $0x0  }
0xa5: {  	s3 =	rddreg [dreg:$0x2];
	[bflag:$0x3] =	sbarrier.arrive $0xFFFF;
	s2 =	simm.s32 @!p0 $0x1C05  }
0xa6: {  	[timem:s3], [sflag:s2] =	dma.local @!p0 [hbm:s0], s1  }
0xa7: {  	s0 =	simm.s32 @!p0 $0x5  }
0xa8: {  	_ =	swait.ge @!p0 [sflag:s0], s1  }
0xa9: {  	s1 =	ssub.s32 @!p0 $0x0, s1;
	[sflag:s0] =	ssyncset.done @!p0 $0x0  }
0xaa: {  	[sflag:s0] =	ssyncadd.s32 @!p0 s1  }
0xab: {  	[bflag:$0x3] =	sbarrier.arrive $0xFFFF  }
0xac: {  	_ =	shalt  }

</sc_bundles>
